<compile_context>
chip_gen: v7x
topology: tpu7x:2x2x1
jax: 0.10.2.dev20260603
libtpu: 0.0.44.dev20260713+nightly
codegen_flags: <defaults>
</compile_context>

<pallas_src>
import functools

import jax
import jax.numpy as jnp
from jax import lax
from jax.experimental import pallas as pl
from jax.experimental.pallas import tpu as pltpu
from jax.experimental.pallas import tpu_sc as plsc


def kernel(x, token_table, pos_table):
    B, S = x.shape
    V, D = token_table.shape
    N = B * S
    L = 16

    info = plsc.get_sparse_core_info()
    NC, NS = info.num_cores, info.num_subcores
    NW = NC * NS
    b_per_w = N // NW
    H = b_per_w // 2
    BLK_PER_CORE = NS // B
    POS_PER_CORE = BLK_PER_CORE * b_per_w
    COOP = POS_PER_CORE // NS
    assert N % NW == 0 and D % L == 0 and H <= 128 and H % 8 == 0
    assert NS % B == 0 and S == NC * POS_PER_CORE and COOP % 8 == 0

    mesh = plsc.VectorSubcoreMesh(core_axis_name="c", subcore_axis_name="s")

    @functools.partial(
        pl.kernel,
        mesh=mesh,
        out_type=jax.ShapeDtypeStruct((B, S, D), jnp.float32),
        scratch_types=[
            pltpu.VMEM((b_per_w,), jnp.int32),
            pltpu.VMEM((H, D), jnp.float32),
            pltpu.VMEM((b_per_w, D), jnp.float32),
            pltpu.VMEM_SHARED((POS_PER_CORE, D), jnp.float32),
            pltpu.SemaphoreType.DMA,
            pltpu.SemaphoreType.DMA,
            pltpu.SemaphoreType.DMA,
            pltpu.SemaphoreType.DMA,
            pltpu.SemaphoreType.DMA,
            pltpu.SemaphoreType.DMA,
            pltpu.SemaphoreType.DMA,
            pltpu.SemaphoreType.DMA,
        ],
    )
    def sc_kernel(x_hbm, tok_hbm, pos_hbm, out_hbm, idx_v, pos_v, rows_v,
                  pos_sh, sem_i, sem_p0, sem_p1, sem_g0, sem_g1a, sem_g1b,
                  sem_w0, sem_w1):
        c = lax.axis_index("c")
        s = lax.axis_index("s")
        b_idx = s // BLK_PER_CORE
        blk = lax.rem(s, BLK_PER_CORE)
        s_base = c * POS_PER_CORE + blk * b_per_w

        i_cp = pltpu.async_copy(
            x_hbm.at[b_idx, pl.ds(s_base, b_per_w)], idx_v, sem_i)
        pltpu.sync_copy(
            pos_hbm.at[pl.ds(c * POS_PER_CORE + s * COOP, COOP)],
            pos_sh.at[pl.ds(s * COOP, COOP)])
        i_cp.wait()
        g0 = pltpu.async_copy(
            tok_hbm.at[idx_v.at[pl.ds(0, H)]], rows_v.at[pl.ds(0, H)],
            sem_g0)
        plsc.subcore_barrier()

        p0 = pltpu.async_copy(
            pos_sh.at[pl.ds(blk * b_per_w, H)], pos_v, sem_p0)
        p1 = pltpu.async_copy(
            pos_sh.at[pl.ds(blk * b_per_w + H, H)], rows_v.at[pl.ds(H, H)],
            sem_p1)

        QH = H // 2
        p1.wait()
        g1a = pltpu.async_copy(
            tok_hbm.at[idx_v.at[pl.ds(H, QH)]], rows_v.at[pl.ds(H, QH)],
            sem_g1a, add=True)
        g1b = pltpu.async_copy(
            tok_hbm.at[idx_v.at[pl.ds(H + QH, QH)]],
            rows_v.at[pl.ds(H + QH, QH)], sem_g1b, add=True)

        p0.wait()
        g0.wait()
        Q = H // 2

        @plsc.parallel_loop(0, Q)
        def add0a(i):
            for j in range(D // L):
                sl = pl.ds(j * L, L)
                plsc.addupdate(rows_v.at[i, sl], pos_v[i, sl])

        w0a = pltpu.async_copy(
            rows_v.at[pl.ds(0, Q)],
            out_hbm.at[b_idx, pl.ds(s_base, Q)], sem_w0)

        @plsc.parallel_loop(Q, H)
        def add0b(i):
            for j in range(D // L):
                sl = pl.ds(j * L, L)
                plsc.addupdate(rows_v.at[i, sl], pos_v[i, sl])

        w0 = pltpu.async_copy(
            rows_v.at[pl.ds(Q, Q)],
            out_hbm.at[b_idx, pl.ds(s_base + Q, Q)], sem_w0)
        g1a.wait()
        w1a = pltpu.async_copy(
            rows_v.at[pl.ds(H, QH)],
            out_hbm.at[b_idx, pl.ds(s_base + H, QH)], sem_w1)
        g1b.wait()
        w1b = pltpu.async_copy(
            rows_v.at[pl.ds(H + QH, QH)],
            out_hbm.at[b_idx, pl.ds(s_base + H + QH, QH)], sem_w1)
        w0a.wait()
        w0.wait()
        w1a.wait()
        w1b.wait()

    return sc_kernel(x, token_table, pos_table)

# --- scband reference (transcript-rebuilt; emitter-appended) ---
"""Pipeline reference for scband-token-and-position-embedding-36240934043776 (READ-ONLY COPY).

The authoritative reference and input builder live on the scoring server;
editing this copy changes nothing except your own understanding.
"""

import jax, jax.numpy as jnp
import numpy as np

VOCAB = 100000
MAXLEN = 2048
EMBED = 128
BATCH = 4
SEQ = 2048

def setup_inputs(seed: int = 0) -> dict:
    key = jax.random.key(seed)
    k1, k2, k3 = jax.random.split(key, 3)
    x = jax.random.randint(k1, (BATCH, SEQ), 0, VOCAB, dtype=jnp.int64 if jax.config.read('jax_enable_x64') else jnp.int32)
    token_table = jax.random.normal(k2, (VOCAB, EMBED), dtype=jnp.float32) * 0.02
    pos_table = jax.random.normal(k3, (MAXLEN, EMBED), dtype=jnp.float32) * 0.02
    return {"x": x, "token_table": token_table, "pos_table": pos_table}

def reference(x, token_table, pos_table):
    seq_len = x.shape[1]
    positions = jnp.arange(0, seq_len)[None, :]
    tok = jnp.take(token_table, x, axis=0)
    pos = jnp.take(pos_table, positions, axis=0)
    return tok + pos

if __name__ == "__main__":
    import jax
    _d = setup_inputs()
    print(jax.jit(kernel)(*tuple(_d.values())))

</pallas_src>

<mosaic_0001>
#map = affine_map<(d0, d1) -> (0, 0)>
#map1 = affine_map<(d0, d1) -> (0, 0, 0)>
module attributes {stable_mosaic.version = 14 : i64} {
  func.func @sc_kernel(%arg0: i32, %arg1: i32, %arg2: memref<4x2048xi32, #tpu.memory_space<hbm>>, %arg3: memref<100000x128xf32, #tpu.memory_space<hbm>>, %arg4: memref<2048x128xf32, #tpu.memory_space<hbm>>, %arg5: memref<4x2048x128xf32, #tpu.memory_space<hbm>>, %arg6: memref<256xi32, #tpu.memory_space<vmem>>, %arg7: memref<128x128xf32, #tpu.memory_space<vmem>>, %arg8: memref<256x128xf32, #tpu.memory_space<vmem>>, %arg9: memref<1024x128xf32, #tpu.memory_space<vmem_shared>>, %arg10: memref<!tpu.dma_semaphore, #tpu.memory_space<semaphore_mem>>, %arg11: memref<!tpu.dma_semaphore, #tpu.memory_space<semaphore_mem>>, %arg12: memref<!tpu.dma_semaphore, #tpu.memory_space<semaphore_mem>>, %arg13: memref<!tpu.dma_semaphore, #tpu.memory_space<semaphore_mem>>, %arg14: memref<!tpu.dma_semaphore, #tpu.memory_space<semaphore_mem>>, %arg15: memref<!tpu.dma_semaphore, #tpu.memory_space<semaphore_mem>>, %arg16: memref<!tpu.dma_semaphore, #tpu.memory_space<semaphore_mem>>, %arg17: memref<!tpu.dma_semaphore, #tpu.memory_space<semaphore_mem>>) attributes {dimension_semantics = [#tpu.dimension_semantics<core_parallel>, #tpu.dimension_semantics<subcore_parallel>], iteration_bounds = array<i64: 2, 16>, scalar_prefetch = 0 : i64, scratch_operands = 12 : i64, tpu.core_type = #tpu.core_type<sc_vector_subcore>, window_params = [{transform_indices = #map}, {transform_indices = #map}, {transform_indices = #map}, {transform_indices = #map1}]} {
    %jit3A = arith.constant 4 : i32
    %div3A = arith.divsi %arg1, %jit3A : i32
    %sign3A = arith.constant 0 : i32
    %sign3A_0 = arith.cmpi sgt, %arg1, %sign3A : i32
    %sign3A_1 = arith.extui %sign3A_0 : i1 to i32
    %sign3A_2 = arith.constant 0 : i32
    %sign3A_3 = arith.cmpi slt, %arg1, %sign3A_2 : i32
    %sign3A_4 = arith.extui %sign3A_3 : i1 to i32
    %sign3A_5 = arith.subi %sign3A_1, %sign3A_4 : i32
    %sign3A_6 = arith.constant 0 : i32
    %sign3A_7 = arith.cmpi sgt, %jit3A, %sign3A_6 : i32
    %sign3A_8 = arith.extui %sign3A_7 : i1 to i32
    %sign3A_9 = arith.constant 0 : i32
    %sign3A_10 = arith.cmpi slt, %jit3A, %sign3A_9 : i32
    %sign3A_11 = arith.extui %sign3A_10 : i1 to i32
    %sign3A_12 = arith.subi %sign3A_8, %sign3A_11 : i32
    %ne3A = arith.cmpi ne, %sign3A_5, %sign3A_12 : i32
    %rem3A = arith.remsi %arg1, %jit3A : i32
    %ne3A_13 = arith.constant 0 : i32
    %ne3A_14 = arith.cmpi ne, %rem3A, %ne3A_13 : i32
    %and3A = arith.andi %ne3A, %ne3A_14 : i1
    %sub3A = arith.constant 1 : i32
    %sub3A_15 = arith.subi %div3A, %sub3A : i32
    %select_n3A = arith.select %and3A, %sub3A_15, %div3A : i32
    %rem3A_16 = arith.constant 4 : i32
    %rem3A_17 = arith.remsi %arg1, %rem3A_16 : i32
    %mul3A = arith.constant 1024 : i32
    %mul3A_18 = arith.muli %arg0, %mul3A : i32
    %mul3A_19 = arith.constant 256 : i32
    %mul3A_20 = arith.muli %rem3A_17, %mul3A_19 : i32
    %add3A = arith.addi %mul3A_18, %mul3A_20 : i32
    %dma_start3A = tpu.memref_slice %arg2[%select_n3A, %add3A] : memref<4x2048xi32, #tpu.memory_space<hbm>> -> memref<1x256xi32, #tpu.memory_space<hbm>>
    %dma_start3A_21 = tpu.memref_squeeze %dma_start3A : memref<1x256xi32, #tpu.memory_space<hbm>> -> memref<256xi32, #tpu.memory_space<hbm>>
    %dma_start3A_22 = tpu.memref_slice %arg2[%select_n3A, %add3A] : memref<4x2048xi32, #tpu.memory_space<hbm>> -> memref<1x256xi32, #tpu.memory_space<hbm>>
    %dma_start3A_23 = tpu.memref_squeeze %dma_start3A_22 : memref<1x256xi32, #tpu.memory_space<hbm>> -> memref<256xi32, #tpu.memory_space<hbm>>
    tpu.enqueue_dma source(%dma_start3A_23 : memref<256xi32, #tpu.memory_space<hbm>>) target(%arg6 : memref<256xi32, #tpu.memory_space<vmem>>) target_semaphore(%arg10 : memref<!tpu.dma_semaphore, #tpu.memory_space<semaphore_mem>>)
    %mul3A_24 = arith.constant 1024 : i32
    %mul3A_25 = arith.muli %arg0, %mul3A_24 : i32
    %mul3A_26 = arith.constant 64 : i32
    %mul3A_27 = arith.muli %arg1, %mul3A_26 : i32
    %add3A_28 = arith.addi %mul3A_25, %mul3A_27 : i32
    %mul3A_29 = arith.constant 64 : i32
    %mul3A_30 = arith.muli %arg1, %mul3A_29 : i32
    "tpu.region"() ({
      %run_scoped3A = tpu.sem_alloc : memref<!tpu.dma_semaphore, #tpu.memory_space<semaphore_mem>>
      %dma_start3A_225 = arith.constant 0 : i32
      %dma_start3A_226 = tpu.memref_slice %arg9[%mul3A_30, %dma_start3A_225] : memref<1024x128xf32, #tpu.memory_space<vmem_shared>> -> memref<64x128xf32, #tpu.memory_space<vmem_shared>>
      %dma_start3A_227 = arith.constant 0 : i32
      %dma_start3A_228 = tpu.memref_slice %arg4[%add3A_28, %dma_start3A_227] : memref<2048x128xf32, #tpu.memory_space<hbm>> -> memref<64x128xf32, #tpu.memory_space<hbm>>
      tpu.enqueue_dma source(%dma_start3A_228 : memref<64x128xf32, #tpu.memory_space<hbm>>) target(%dma_start3A_226 : memref<64x128xf32, #tpu.memory_space<vmem_shared>>) target_semaphore(%run_scoped3A : memref<!tpu.dma_semaphore, #tpu.memory_space<semaphore_mem>>)
      %dma_wait3A_229 = arith.constant 0 : i32
      %dma_wait3A_230 = tpu.memref_slice %arg9[%mul3A_30, %dma_wait3A_229] : memref<1024x128xf32, #tpu.memory_space<vmem_shared>> -> memref<64x128xf32, #tpu.memory_space<vmem_shared>>
      %dma_wait3A_231 = arith.constant 0 : i32
      %dma_wait3A_232 = tpu.memref_slice %arg4[%add3A_28, %dma_wait3A_231] : memref<2048x128xf32, #tpu.memory_space<hbm>> -> memref<64x128xf32, #tpu.memory_space<hbm>>
      tpu.wait_dma2 semaphore(%run_scoped3A : memref<!tpu.dma_semaphore, #tpu.memory_space<semaphore_mem>>) src(%dma_wait3A_232 : memref<64x128xf32, #tpu.memory_space<hbm>>) dst(%dma_wait3A_230 : memref<64x128xf32, #tpu.memory_space<vmem_shared>>)
      tpu.yield
    }) : () -> ()
    %dma_wait3A = tpu.memref_slice %arg2[%select_n3A, %add3A] : memref<4x2048xi32, #tpu.memory_space<hbm>> -> memref<1x256xi32, #tpu.memory_space<hbm>>
    %dma_wait3A_31 = tpu.memref_squeeze %dma_wait3A : memref<1x256xi32, #tpu.memory_space<hbm>> -> memref<256xi32, #tpu.memory_space<hbm>>
    %dma_wait3A_32 = tpu.memref_slice %arg2[%select_n3A, %add3A] : memref<4x2048xi32, #tpu.memory_space<hbm>> -> memref<1x256xi32, #tpu.memory_space<hbm>>
    %dma_wait3A_33 = tpu.memref_squeeze %dma_wait3A_32 : memref<1x256xi32, #tpu.memory_space<hbm>> -> memref<256xi32, #tpu.memory_space<hbm>>
    tpu.wait_dma2 semaphore(%arg10 : memref<!tpu.dma_semaphore, #tpu.memory_space<semaphore_mem>>) src(%dma_wait3A_33 : memref<256xi32, #tpu.memory_space<hbm>>) dst(%arg6 : memref<256xi32, #tpu.memory_space<vmem>>)
    %dma_start3A_34 = arith.constant 0 : i32
    %dma_start3A_35 = arith.constant 0 : i32
    %dma_start3A_36 = tpu.memref_slice %arg8[%dma_start3A_34, %dma_start3A_35] : memref<256x128xf32, #tpu.memory_space<vmem>> -> memref<128x128xf32, #tpu.memory_space<vmem>>
    %dma_start3A_37 = arith.constant 0 : i32
    %dma_start3A_38 = tpu.memref_slice %arg6[%dma_start3A_37] : memref<256xi32, #tpu.memory_space<vmem>> -> memref<128xi32, #tpu.memory_space<vmem>>
    %dma_start3A_39 = arith.constant 0 : i32
    %dma_start3A_40 = arith.constant 0 : i32
    %dma_start3A_41 = tpu.memref_slice %arg3[%dma_start3A_39, %dma_start3A_40] : memref<100000x128xf32, #tpu.memory_space<hbm>> -> memref<100000x128xf32, #tpu.memory_space<hbm>>
    tpu.enqueue_indirect_dma source(%dma_start3A_41 : memref<100000x128xf32, #tpu.memory_space<hbm>>) target(%dma_start3A_36 : memref<128x128xf32, #tpu.memory_space<vmem>>) offsets(%dma_start3A_38 : memref<128xi32, #tpu.memory_space<vmem>>) semaphore(%arg13 : memref<!tpu.dma_semaphore, #tpu.memory_space<semaphore_mem>>)
    %barrier3A = arith.constant 0 : index
    tpu.barrier barrier_id(%barrier3A)
    %mul3A_42 = arith.constant 256 : i32
    %mul3A_43 = arith.muli %rem3A_17, %mul3A_42 : i32
    %dma_start3A_44 = arith.constant 0 : i32
    %dma_start3A_45 = tpu.memref_slice %arg9[%mul3A_43, %dma_start3A_44] : memref<1024x128xf32, #tpu.memory_space<vmem_shared>> -> memref<128x128xf32, #tpu.memory_space<vmem_shared>>
    %dma_start3A_46 = arith.constant 0 : i32
    %dma_start3A_47 = tpu.memref_slice %arg9[%mul3A_43, %dma_start3A_46] : memref<1024x128xf32, #tpu.memory_space<vmem_shared>> -> memref<128x128xf32, #tpu.memory_space<vmem_shared>>
    tpu.enqueue_dma source(%dma_start3A_47 : memref<128x128xf32, #tpu.memory_space<vmem_shared>>) target(%arg7 : memref<128x128xf32, #tpu.memory_space<vmem>>) target_semaphore(%arg11 : memref<!tpu.dma_semaphore, #tpu.memory_space<semaphore_mem>>)
    %mul3A_48 = arith.constant 256 : i32
    %mul3A_49 = arith.muli %rem3A_17, %mul3A_48 : i32
    %add3A_50 = arith.constant 128 : i32
    %add3A_51 = arith.addi %mul3A_49, %add3A_50 : i32
    %dma_start3A_52 = arith.constant 128 : i32
    %dma_start3A_53 = arith.constant 0 : i32
    %dma_start3A_54 = tpu.memref_slice %arg8[%dma_start3A_52, %dma_start3A_53] : memref<256x128xf32, #tpu.memory_space<vmem>> -> memref<128x128xf32, #tpu.memory_space<vmem>>
    %dma_start3A_55 = arith.constant 0 : i32
    %dma_start3A_56 = tpu.memref_slice %arg9[%add3A_51, %dma_start3A_55] : memref<1024x128xf32, #tpu.memory_space<vmem_shared>> -> memref<128x128xf32, #tpu.memory_space<vmem_shared>>
    %dma_start3A_57 = arith.constant 128 : i32
    %dma_start3A_58 = arith.constant 0 : i32
    %dma_start3A_59 = tpu.memref_slice %arg8[%dma_start3A_57, %dma_start3A_58] : memref<256x128xf32, #tpu.memory_space<vmem>> -> memref<128x128xf32, #tpu.memory_space<vmem>>
    %dma_start3A_60 = arith.constant 0 : i32
    %dma_start3A_61 = tpu.memref_slice %arg9[%add3A_51, %dma_start3A_60] : memref<1024x128xf32, #tpu.memory_space<vmem_shared>> -> memref<128x128xf32, #tpu.memory_space<vmem_shared>>
    tpu.enqueue_dma source(%dma_start3A_61 : memref<128x128xf32, #tpu.memory_space<vmem_shared>>) target(%dma_start3A_59 : memref<128x128xf32, #tpu.memory_space<vmem>>) target_semaphore(%arg12 : memref<!tpu.dma_semaphore, #tpu.memory_space<semaphore_mem>>)
    %dma_wait3A_62 = arith.constant 128 : i32
    %dma_wait3A_63 = arith.constant 0 : i32
    %dma_wait3A_64 = tpu.memref_slice %arg8[%dma_wait3A_62, %dma_wait3A_63] : memref<256x128xf32, #tpu.memory_space<vmem>> -> memref<128x128xf32, #tpu.memory_space<vmem>>
    %dma_wait3A_65 = arith.constant 0 : i32
    %dma_wait3A_66 = tpu.memref_slice %arg9[%add3A_51, %dma_wait3A_65] : memref<1024x128xf32, #tpu.memory_space<vmem_shared>> -> memref<128x128xf32, #tpu.memory_space<vmem_shared>>
    %dma_wait3A_67 = arith.constant 128 : i32
    %dma_wait3A_68 = arith.constant 0 : i32
    %dma_wait3A_69 = tpu.memref_slice %arg8[%dma_wait3A_67, %dma_wait3A_68] : memref<256x128xf32, #tpu.memory_space<vmem>> -> memref<128x128xf32, #tpu.memory_space<vmem>>
    %dma_wait3A_70 = arith.constant 0 : i32
    %dma_wait3A_71 = tpu.memref_slice %arg9[%add3A_51, %dma_wait3A_70] : memref<1024x128xf32, #tpu.memory_space<vmem_shared>> -> memref<128x128xf32, #tpu.memory_space<vmem_shared>>
    tpu.wait_dma2 semaphore(%arg12 : memref<!tpu.dma_semaphore, #tpu.memory_space<semaphore_mem>>) src(%dma_wait3A_71 : memref<128x128xf32, #tpu.memory_space<vmem_shared>>) dst(%dma_wait3A_69 : memref<128x128xf32, #tpu.memory_space<vmem>>)
    %dma_start3A_72 = arith.constant 128 : i32
    %dma_start3A_73 = arith.constant 0 : i32
    %dma_start3A_74 = tpu.memref_slice %arg8[%dma_start3A_72, %dma_start3A_73] : memref<256x128xf32, #tpu.memory_space<vmem>> -> memref<64x128xf32, #tpu.memory_space<vmem>>
    %dma_start3A_75 = arith.constant 128 : i32
    %dma_start3A_76 = tpu.memref_slice %arg6[%dma_start3A_75] : memref<256xi32, #tpu.memory_space<vmem>> -> memref<64xi32, #tpu.memory_space<vmem>>
    %dma_start3A_77 = arith.constant 0 : i32
    %dma_start3A_78 = arith.constant 0 : i32
    %dma_start3A_79 = tpu.memref_slice %arg3[%dma_start3A_77, %dma_start3A_78] : memref<100000x128xf32, #tpu.memory_space<hbm>> -> memref<100000x128xf32, #tpu.memory_space<hbm>>
    tpu.enqueue_indirect_dma source(%dma_start3A_79 : memref<100000x128xf32, #tpu.memory_space<hbm>>) target(%dma_start3A_74 : memref<64x128xf32, #tpu.memory_space<vmem>>) offsets(%dma_start3A_76 : memref<64xi32, #tpu.memory_space<vmem>>) semaphore(%arg14 : memref<!tpu.dma_semaphore, #tpu.memory_space<semaphore_mem>>) {add = true}
    %dma_start3A_80 = arith.constant 192 : i32
    %dma_start3A_81 = arith.constant 0 : i32
    %dma_start3A_82 = tpu.memref_slice %arg8[%dma_start3A_80, %dma_start3A_81] : memref<256x128xf32, #tpu.memory_space<vmem>> -> memref<64x128xf32, #tpu.memory_space<vmem>>
    %dma_start3A_83 = arith.constant 192 : i32
    %dma_start3A_84 = tpu.memref_slice %arg6[%dma_start3A_83] : memref<256xi32, #tpu.memory_space<vmem>> -> memref<64xi32, #tpu.memory_space<vmem>>
    %dma_start3A_85 = arith.constant 0 : i32
    %dma_start3A_86 = arith.constant 0 : i32
    %dma_start3A_87 = tpu.memref_slice %arg3[%dma_start3A_85, %dma_start3A_86] : memref<100000x128xf32, #tpu.memory_space<hbm>> -> memref<100000x128xf32, #tpu.memory_space<hbm>>
    tpu.enqueue_indirect_dma source(%dma_start3A_87 : memref<100000x128xf32, #tpu.memory_space<hbm>>) target(%dma_start3A_82 : memref<64x128xf32, #tpu.memory_space<vmem>>) offsets(%dma_start3A_84 : memref<64xi32, #tpu.memory_space<vmem>>) semaphore(%arg15 : memref<!tpu.dma_semaphore, #tpu.memory_space<semaphore_mem>>) {add = true}
    %dma_wait3A_88 = arith.constant 0 : i32
    %dma_wait3A_89 = tpu.memref_slice %arg9[%mul3A_43, %dma_wait3A_88] : memref<1024x128xf32, #tpu.memory_space<vmem_shared>> -> memref<128x128xf32, #tpu.memory_space<vmem_shared>>
    %dma_wait3A_90 = arith.constant 0 : i32
    %dma_wait3A_91 = tpu.memref_slice %arg9[%mul3A_43, %dma_wait3A_90] : memref<1024x128xf32, #tpu.memory_space<vmem_shared>> -> memref<128x128xf32, #tpu.memory_space<vmem_shared>>
    tpu.wait_dma2 semaphore(%arg11 : memref<!tpu.dma_semaphore, #tpu.memory_space<semaphore_mem>>) src(%dma_wait3A_91 : memref<128x128xf32, #tpu.memory_space<vmem_shared>>) dst(%arg7 : memref<128x128xf32, #tpu.memory_space<vmem>>)
    %dma_wait3A_92 = arith.constant 0 : i32
    %dma_wait3A_93 = arith.constant 0 : i32
    %dma_wait3A_94 = tpu.memref_slice %arg8[%dma_wait3A_92, %dma_wait3A_93] : memref<256x128xf32, #tpu.memory_space<vmem>> -> memref<128x128xf32, #tpu.memory_space<vmem>>
    %dma_wait3A_95 = arith.constant 0 : i32
    %dma_wait3A_96 = tpu.memref_slice %arg6[%dma_wait3A_95] : memref<256xi32, #tpu.memory_space<vmem>> -> memref<128xi32, #tpu.memory_space<vmem>>
    %dma_wait3A_97 = arith.constant 0 : i32
    %dma_wait3A_98 = arith.constant 0 : i32
    %dma_wait3A_99 = tpu.memref_slice %arg3[%dma_wait3A_97, %dma_wait3A_98] : memref<100000x128xf32, #tpu.memory_space<hbm>> -> memref<100000x128xf32, #tpu.memory_space<hbm>>
    tpu.wait_indirect_dma semaphore(%arg13 : memref<!tpu.dma_semaphore, #tpu.memory_space<semaphore_mem>>) src(%dma_wait3A_99 : memref<100000x128xf32, #tpu.memory_space<hbm>>) dst(%dma_wait3A_94 : memref<128x128xf32, #tpu.memory_space<vmem>>)
    %parallel_loop3A = arith.constant 0 : i32
    %parallel_loop3A_100 = arith.constant 64 : i32
    %parallel_loop3A_101 = arith.constant 1 : i32
    scf.for %parallel_loop3A_225 = %parallel_loop3A to %parallel_loop3A_100 step %parallel_loop3A_101  : i32 {
      %parallel_loop3A_226 = arith.index_cast %parallel_loop3A_225 : i32 to index
      %parallel_loop3A_227 = arith.constant 0 : index
      %parallel_loop3A_228 = tpu.vector_load %arg7[%parallel_loop3A_226, %parallel_loop3A_227] {strides = array<i32>} : memref<128x128xf32, #tpu.memory_space<vmem>>, vector<1x16xf32>,
      %parallel_loop3A_229 = vector.shape_cast %parallel_loop3A_228 : vector<1x16xf32> to vector<16xf32>
      %parallel_loop3A_230 = arith.index_cast %parallel_loop3A_225 : i32 to index
      %parallel_loop3A_231 = arith.constant 0 : index
      %parallel_loop3A_232 = tpu.vector_load %arg8[%parallel_loop3A_230, %parallel_loop3A_231] {strides = array<i32>} : memref<256x128xf32, #tpu.memory_space<vmem>>, vector<1x16xf32>,
      %parallel_loop3A_233 = vector.shape_cast %parallel_loop3A_232 : vector<1x16xf32> to vector<16xf32>
      %parallel_loop3A_234 = vector.shape_cast %parallel_loop3A_229 : vector<16xf32> to vector<1x16xf32>
      tpu.vector_store %arg8[%parallel_loop3A_230, %parallel_loop3A_231], %parallel_loop3A_234 {add = true, strides = array<i32>} : memref<256x128xf32, #tpu.memory_space<vmem>>, vector<1x16xf32>,
      %parallel_loop3A_235 = arith.index_cast %parallel_loop3A_225 : i32 to index
      %parallel_loop3A_236 = arith.constant 16 : index
      %parallel_loop3A_237 = tpu.vector_load %arg7[%parallel_loop3A_235, %parallel_loop3A_236] {strides = array<i32>} : memref<128x128xf32, #tpu.memory_space<vmem>>, vector<1x16xf32>,
      %parallel_loop3A_238 = vector.shape_cast %parallel_loop3A_237 : vector<1x16xf32> to vector<16xf32>
      %parallel_loop3A_239 = arith.index_cast %parallel_loop3A_225 : i32 to index
      %parallel_loop3A_240 = arith.constant 16 : index
      %parallel_loop3A_241 = tpu.vector_load %arg8[%parallel_loop3A_239, %parallel_loop3A_240] {strides = array<i32>} : memref<256x128xf32, #tpu.memory_space<vmem>>, vector<1x16xf32>,
      %parallel_loop3A_242 = vector.shape_cast %parallel_loop3A_241 : vector<1x16xf32> to vector<16xf32>
      %parallel_loop3A_243 = vector.shape_cast %parallel_loop3A_238 : vector<16xf32> to vector<1x16xf32>
      tpu.vector_store %arg8[%parallel_loop3A_239, %parallel_loop3A_240], %parallel_loop3A_243 {add = true, strides = array<i32>} : memref<256x128xf32, #tpu.memory_space<vmem>>, vector<1x16xf32>,
      %parallel_loop3A_244 = arith.index_cast %parallel_loop3A_225 : i32 to index
      %parallel_loop3A_245 = arith.constant 32 : index
      %parallel_loop3A_246 = tpu.vector_load %arg7[%parallel_loop3A_244, %parallel_loop3A_245] {strides = array<i32>} : memref<128x128xf32, #tpu.memory_space<vmem>>, vector<1x16xf32>,
      %parallel_loop3A_247 = vector.shape_cast %parallel_loop3A_246 : vector<1x16xf32> to vector<16xf32>
      %parallel_loop3A_248 = arith.index_cast %parallel_loop3A_225 : i32 to index
      %parallel_loop3A_249 = arith.constant 32 : index
      %parallel_loop3A_250 = tpu.vector_load %arg8[%parallel_loop3A_248, %parallel_loop3A_249] {strides = array<i32>} : memref<256x128xf32, #tpu.memory_space<vmem>>, vector<1x16xf32>,
      %parallel_loop3A_251 = vector.shape_cast %parallel_loop3A_250 : vector<1x16xf32> to vector<16xf32>
      %parallel_loop3A_252 = vector.shape_cast %parallel_loop3A_247 : vector<16xf32> to vector<1x16xf32>
      tpu.vector_store %arg8[%parallel_loop3A_248, %parallel_loop3A_249], %parallel_loop3A_252 {add = true, strides = array<i32>} : memref<256x128xf32, #tpu.memory_space<vmem>>, vector<1x16xf32>,
      %parallel_loop3A_253 = arith.index_cast %parallel_loop3A_225 : i32 to index
      %parallel_loop3A_254 = arith.constant 48 : index
      %parallel_loop3A_255 = tpu.vector_load %arg7[%parallel_loop3A_253, %parallel_loop3A_254] {strides = array<i32>} : memref<128x128xf32, #tpu.memory_space<vmem>>, vector<1x16xf32>,
      %parallel_loop3A_256 = vector.shape_cast %parallel_loop3A_255 : vector<1x16xf32> to vector<16xf32>
      %parallel_loop3A_257 = arith.index_cast %parallel_loop3A_225 : i32 to index
      %parallel_loop3A_258 = arith.constant 48 : index
      %parallel_loop3A_259 = tpu.vector_load %arg8[%parallel_loop3A_257, %parallel_loop3A_258] {strides = array<i32>} : memref<256x128xf32, #tpu.memory_space<vmem>>, vector<1x16xf32>,
      %parallel_loop3A_260 = vector.shape_cast %parallel_loop3A_259 : vector<1x16xf32> to vector<16xf32>
      %parallel_loop3A_261 = vector.shape_cast %parallel_loop3A_256 : vector<16xf32> to vector<1x16xf32>
      tpu.vector_store %arg8[%parallel_loop3A_257, %parallel_loop3A_258], %parallel_loop3A_261 {add = true, strides = array<i32>} : memref<256x128xf32, #tpu.memory_space<vmem>>, vector<1x16xf32>,
      %parallel_loop3A_262 = arith.index_cast %parallel_loop3A_225 : i32 to index
      %parallel_loop3A_263 = arith.constant 64 : index
      %parallel_loop3A_264 = tpu.vector_load %arg7[%parallel_loop3A_262, %parallel_loop3A_263] {strides = array<i32>} : memref<128x128xf32, #tpu.memory_space<vmem>>, vector<1x16xf32>,
      %parallel_loop3A_265 = vector.shape_cast %parallel_loop3A_264 : vector<1x16xf32> to vector<16xf32>
      %parallel_loop3A_266 = arith.index_cast %parallel_loop3A_225 : i32 to index
      %parallel_loop3A_267 = arith.constant 64 : index
      %parallel_loop3A_268 = tpu.vector_load %arg8[%parallel_loop3A_266, %parallel_loop3A_267] {strides = array<i32>} : memref<256x128xf32, #tpu.memory_space<vmem>>, vector<1x16xf32>,
      %parallel_loop3A_269 = vector.shape_cast %parallel_loop3A_268 : vector<1x16xf32> to vector<16xf32>
      %parallel_loop3A_270 = vector.shape_cast %parallel_loop3A_265 : vector<16xf32> to vector<1x16xf32>
      tpu.vector_store %arg8[%parallel_loop3A_266, %parallel_loop3A_267], %parallel_loop3A_270 {add = true, strides = array<i32>} : memref<256x128xf32, #tpu.memory_space<vmem>>, vector<1x16xf32>,
      %parallel_loop3A_271 = arith.index_cast %parallel_loop3A_225 : i32 to index
      %parallel_loop3A_272 = arith.constant 80 : index
      %parallel_loop3A_273 = tpu.vector_load %arg7[%parallel_loop3A_271, %parallel_loop3A_272] {strides = array<i32>} : memref<128x128xf32, #tpu.memory_space<vmem>>, vector<1x16xf32>,
      %parallel_loop3A_274 = vector.shape_cast %parallel_loop3A_273 : vector<1x16xf32> to vector<16xf32>
      %parallel_loop3A_275 = arith.index_cast %parallel_loop3A_225 : i32 to index
      %parallel_loop3A_276 = arith.constant 80 : index
      %parallel_loop3A_277 = tpu.vector_load %arg8[%parallel_loop3A_275, %parallel_loop3A_276] {strides = array<i32>} : memref<256x128xf32, #tpu.memory_space<vmem>>, vector<1x16xf32>,
      %parallel_loop3A_278 = vector.shape_cast %parallel_loop3A_277 : vector<1x16xf32> to vector<16xf32>
      %parallel_loop3A_279 = vector.shape_cast %parallel_loop3A_274 : vector<16xf32> to vector<1x16xf32>
      tpu.vector_store %arg8[%parallel_loop3A_275, %parallel_loop3A_276], %parallel_loop3A_279 {add = true, strides = array<i32>} : memref<256x128xf32, #tpu.memory_space<vmem>>, vector<1x16xf32>,
      %parallel_loop3A_280 = arith.index_cast %parallel_loop3A_225 : i32 to index
      %parallel_loop3A_281 = arith.constant 96 : index
      %parallel_loop3A_282 = tpu.vector_load %arg7[%parallel_loop3A_280, %parallel_loop3A_281] {strides = array<i32>} : memref<128x128xf32, #tpu.memory_space<vmem>>, vector<1x16xf32>,
      %parallel_loop3A_283 = vector.shape_cast %parallel_loop3A_282 : vector<1x16xf32> to vector<16xf32>
      %parallel_loop3A_284 = arith.index_cast %parallel_loop3A_225 : i32 to index
      %parallel_loop3A_285 = arith.constant 96 : index
      %parallel_loop3A_286 = tpu.vector_load %arg8[%parallel_loop3A_284, %parallel_loop3A_285] {strides = array<i32>} : memref<256x128xf32, #tpu.memory_space<vmem>>, vector<1x16xf32>,
      %parallel_loop3A_287 = vector.shape_cast %parallel_loop3A_286 : vector<1x16xf32> to vector<16xf32>
      %parallel_loop3A_288 = vector.shape_cast %parallel_loop3A_283 : vector<16xf32> to vector<1x16xf32>
      tpu.vector_store %arg8[%parallel_loop3A_284, %parallel_loop3A_285], %parallel_loop3A_288 {add = true, strides = array<i32>} : memref<256x128xf32, #tpu.memory_space<vmem>>, vector<1x16xf32>,
      %parallel_loop3A_289 = arith.index_cast %parallel_loop3A_225 : i32 to index
      %parallel_loop3A_290 = arith.constant 112 : index
      %parallel_loop3A_291 = tpu.vector_load %arg7[%parallel_loop3A_289, %parallel_loop3A_290] {strides = array<i32>} : memref<128x128xf32, #tpu.memory_space<vmem>>, vector<1x16xf32>,
      %parallel_loop3A_292 = vector.shape_cast %parallel_loop3A_291 : vector<1x16xf32> to vector<16xf32>
      %parallel_loop3A_293 = arith.index_cast %parallel_loop3A_225 : i32 to index
      %parallel_loop3A_294 = arith.constant 112 : index
      %parallel_loop3A_295 = tpu.vector_load %arg8[%parallel_loop3A_293, %parallel_loop3A_294] {strides = array<i32>} : memref<256x128xf32, #tpu.memory_space<vmem>>, vector<1x16xf32>,
      %parallel_loop3A_296 = vector.shape_cast %parallel_loop3A_295 : vector<1x16xf32> to vector<16xf32>
      %parallel_loop3A_297 = vector.shape_cast %parallel_loop3A_292 : vector<16xf32> to vector<1x16xf32>
      tpu.vector_store %arg8[%parallel_loop3A_293, %parallel_loop3A_294], %parallel_loop3A_297 {add = true, strides = array<i32>} : memref<256x128xf32, #tpu.memory_space<vmem>>, vector<1x16xf32>,
    } {sc.loop_unroll_factor = 1 : i64, sc.parallel_access}
    %dma_start3A_102 = arith.constant 0 : i32
    %dma_start3A_103 = arith.constant 0 : i32
    %dma_start3A_104 = tpu.memref_slice %arg8[%dma_start3A_102, %dma_start3A_103] : memref<256x128xf32, #tpu.memory_space<vmem>> -> memref<64x128xf32, #tpu.memory_space<vmem>>
    %dma_start3A_105 = arith.constant 0 : i32
    %dma_start3A_106 = tpu.memref_slice %arg5[%select_n3A, %add3A, %dma_start3A_105] : memref<4x2048x128xf32, #tpu.memory_space<hbm>> -> memref<1x64x128xf32, #tpu.memory_space<hbm>>
    %dma_start3A_107 = tpu.memref_squeeze %dma_start3A_106 : memref<1x64x128xf32, #tpu.memory_space<hbm>> -> memref<64x128xf32, #tpu.memory_space<hbm>>
    %dma_start3A_108 = arith.constant 0 : i32
    %dma_start3A_109 = tpu.memref_slice %arg5[%select_n3A, %add3A, %dma_start3A_108] : memref<4x2048x128xf32, #tpu.memory_space<hbm>> -> memref<1x64x128xf32, #tpu.memory_space<hbm>>
    %dma_start3A_110 = tpu.memref_squeeze %dma_start3A_109 : memref<1x64x128xf32, #tpu.memory_space<hbm>> -> memref<64x128xf32, #tpu.memory_space<hbm>>
    %dma_start3A_111 = arith.constant 0 : i32
    %dma_start3A_112 = arith.constant 0 : i32
    %dma_start3A_113 = tpu.memref_slice %arg8[%dma_start3A_111, %dma_start3A_112] : memref<256x128xf32, #tpu.memory_space<vmem>> -> memref<64x128xf32, #tpu.memory_space<vmem>>
    tpu.enqueue_dma source(%dma_start3A_113 : memref<64x128xf32, #tpu.memory_space<vmem>>) target(%dma_start3A_110 : memref<64x128xf32, #tpu.memory_space<hbm>>) target_semaphore(%arg16 : memref<!tpu.dma_semaphore, #tpu.memory_space<semaphore_mem>>)
    %parallel_loop3A_114 = arith.constant 64 : i32
    %parallel_loop3A_115 = arith.constant 128 : i32
    %parallel_loop3A_116 = arith.constant 1 : i32
    scf.for %parallel_loop3A_225 = %parallel_loop3A_114 to %parallel_loop3A_115 step %parallel_loop3A_116  : i32 {
      %parallel_loop3A_226 = arith.index_cast %parallel_loop3A_225 : i32 to index
      %parallel_loop3A_227 = arith.constant 0 : index
      %parallel_loop3A_228 = tpu.vector_load %arg7[%parallel_loop3A_226, %parallel_loop3A_227] {strides = array<i32>} : memref<128x128xf32, #tpu.memory_space<vmem>>, vector<1x16xf32>,
      %parallel_loop3A_229 = vector.shape_cast %parallel_loop3A_228 : vector<1x16xf32> to vector<16xf32>
      %parallel_loop3A_230 = arith.index_cast %parallel_loop3A_225 : i32 to index
      %parallel_loop3A_231 = arith.constant 0 : index
      %parallel_loop3A_232 = tpu.vector_load %arg8[%parallel_loop3A_230, %parallel_loop3A_231] {strides = array<i32>} : memref<256x128xf32, #tpu.memory_space<vmem>>, vector<1x16xf32>,
      %parallel_loop3A_233 = vector.shape_cast %parallel_loop3A_232 : vector<1x16xf32> to vector<16xf32>
      %parallel_loop3A_234 = vector.shape_cast %parallel_loop3A_229 : vector<16xf32> to vector<1x16xf32>
      tpu.vector_store %arg8[%parallel_loop3A_230, %parallel_loop3A_231], %parallel_loop3A_234 {add = true, strides = array<i32>} : memref<256x128xf32, #tpu.memory_space<vmem>>, vector<1x16xf32>,
      %parallel_loop3A_235 = arith.index_cast %parallel_loop3A_225 : i32 to index
      %parallel_loop3A_236 = arith.constant 16 : index
      %parallel_loop3A_237 = tpu.vector_load %arg7[%parallel_loop3A_235, %parallel_loop3A_236] {strides = array<i32>} : memref<128x128xf32, #tpu.memory_space<vmem>>, vector<1x16xf32>,
      %parallel_loop3A_238 = vector.shape_cast %parallel_loop3A_237 : vector<1x16xf32> to vector<16xf32>
      %parallel_loop3A_239 = arith.index_cast %parallel_loop3A_225 : i32 to index
      %parallel_loop3A_240 = arith.constant 16 : index
      %parallel_loop3A_241 = tpu.vector_load %arg8[%parallel_loop3A_239, %parallel_loop3A_240] {strides = array<i32>} : memref<256x128xf32, #tpu.memory_space<vmem>>, vector<1x16xf32>,
      %parallel_loop3A_242 = vector.shape_cast %parallel_loop3A_241 : vector<1x16xf32> to vector<16xf32>
      %parallel_loop3A_243 = vector.shape_cast %parallel_loop3A_238 : vector<16xf32> to vector<1x16xf32>
      tpu.vector_store %arg8[%parallel_loop3A_239, %parallel_loop3A_240], %parallel_loop3A_243 {add = true, strides = array<i32>} : memref<256x128xf32, #tpu.memory_space<vmem>>, vector<1x16xf32>,
      %parallel_loop3A_244 = arith.index_cast %parallel_loop3A_225 : i32 to index
      %parallel_loop3A_245 = arith.constant 32 : index
      %parallel_loop3A_246 = tpu.vector_load %arg7[%parallel_loop3A_244, %parallel_loop3A_245] {strides = array<i32>} : memref<128x128xf32, #tpu.memory_space<vmem>>, vector<1x16xf32>,
      %parallel_loop3A_247 = vector.shape_cast %parallel_loop3A_246 : vector<1x16xf32> to vector<16xf32>
      %parallel_loop3A_248 = arith.index_cast %parallel_loop3A_225 : i32 to index
      %parallel_loop3A_249 = arith.constant 32 : index
      %parallel_loop3A_250 = tpu.vector_load %arg8[%parallel_loop3A_248, %parallel_loop3A_249] {strides = array<i32>} : memref<256x128xf32, #tpu.memory_space<vmem>>, vector<1x16xf32>,
      %parallel_loop3A_251 = vector.shape_cast %parallel_loop3A_250 : vector<1x16xf32> to vector<16xf32>
      %parallel_loop3A_252 = vector.shape_cast %parallel_loop3A_247 : vector<16xf32> to vector<1x16xf32>
      tpu.vector_store %arg8[%parallel_loop3A_248, %parallel_loop3A_249], %parallel_loop3A_252 {add = true, strides = array<i32>} : memref<256x128xf32, #tpu.memory_space<vmem>>, vector<1x16xf32>,
      %parallel_loop3A_253 = arith.index_cast %parallel_loop3A_225 : i32 to index
      %parallel_loop3A_254 = arith.constant 48 : index
      %parallel_loop3A_255 = tpu.vector_load %arg7[%parallel_loop3A_253, %parallel_loop3A_254] {strides = array<i32>} : memref<128x128xf32, #tpu.memory_space<vmem>>, vector<1x16xf32>,
      %parallel_loop3A_256 = vector.shape_cast %parallel_loop3A_255 : vector<1x16xf32> to vector<16xf32>
      %parallel_loop3A_257 = arith.index_cast %parallel_loop3A_225 : i32 to index
      %parallel_loop3A_258 = arith.constant 48 : index
      %parallel_loop3A_259 = tpu.vector_load %arg8[%parallel_loop3A_257, %parallel_loop3A_258] {strides = array<i32>} : memref<256x128xf32, #tpu.memory_space<vmem>>, vector<1x16xf32>,
      %parallel_loop3A_260 = vector.shape_cast %parallel_loop3A_259 : vector<1x16xf32> to vector<16xf32>
      %parallel_loop3A_261 = vector.shape_cast %parallel_loop3A_256 : vector<16xf32> to vector<1x16xf32>
      tpu.vector_store %arg8[%parallel_loop3A_257, %parallel_loop3A_258], %parallel_loop3A_261 {add = true, strides = array<i32>} : memref<256x128xf32, #tpu.memory_space<vmem>>, vector<1x16xf32>,
      %parallel_loop3A_262 = arith.index_cast %parallel_loop3A_225 : i32 to index
      %parallel_loop3A_263 = arith.constant 64 : index
      %parallel_loop3A_264 = tpu.vector_load %arg7[%parallel_loop3A_262, %parallel_loop3A_263] {strides = array<i32>} : memref<128x128xf32, #tpu.memory_space<vmem>>, vector<1x16xf32>,
      %parallel_loop3A_265 = vector.shape_cast %parallel_loop3A_264 : vector<1x16xf32> to vector<16xf32>
      %parallel_loop3A_266 = arith.index_cast %parallel_loop3A_225 : i32 to index
      %parallel_loop3A_267 = arith.constant 64 : index
      %parallel_loop3A_268 = tpu.vector_load %arg8[%parallel_loop3A_266, %parallel_loop3A_267] {strides = array<i32>} : memref<256x128xf32, #tpu.memory_space<vmem>>, vector<1x16xf32>,
      %parallel_loop3A_269 = vector.shape_cast %parallel_loop3A_268 : vector<1x16xf32> to vector<16xf32>
      %parallel_loop3A_270 = vector.shape_cast %parallel_loop3A_265 : vector<16xf32> to vector<1x16xf32>
      tpu.vector_store %arg8[%parallel_loop3A_266, %parallel_loop3A_267], %parallel_loop3A_270 {add = true, strides = array<i32>} : memref<256x128xf32, #tpu.memory_space<vmem>>, vector<1x16xf32>,
      %parallel_loop3A_271 = arith.index_cast %parallel_loop3A_225 : i32 to index
      %parallel_loop3A_272 = arith.constant 80 : index
      %parallel_loop3A_273 = tpu.vector_load %arg7[%parallel_loop3A_271, %parallel_loop3A_272] {strides = array<i32>} : memref<128x128xf32, #tpu.memory_space<vmem>>, vector<1x16xf32>,
      %parallel_loop3A_274 = vector.shape_cast %parallel_loop3A_273 : vector<1x16xf32> to vector<16xf32>
      %parallel_loop3A_275 = arith.index_cast %parallel_loop3A_225 : i32 to index
      %parallel_loop3A_276 = arith.constant 80 : index
      %parallel_loop3A_277 = tpu.vector_load %arg8[%parallel_loop3A_275, %parallel_loop3A_276] {strides = array<i32>} : memref<256x128xf32, #tpu.memory_space<vmem>>, vector<1x16xf32>,
      %parallel_loop3A_278 = vector.shape_cast %parallel_loop3A_277 : vector<1x16xf32> to vector<16xf32>
      %parallel_loop3A_279 = vector.shape_cast %parallel_loop3A_274 : vector<16xf32> to vector<1x16xf32>
      tpu.vector_store %arg8[%parallel_loop3A_275, %parallel_loop3A_276], %parallel_loop3A_279 {add = true, strides = array<i32>} : memref<256x128xf32, #tpu.memory_space<vmem>>, vector<1x16xf32>,
      %parallel_loop3A_280 = arith.index_cast %parallel_loop3A_225 : i32 to index
      %parallel_loop3A_281 = arith.constant 96 : index
      %parallel_loop3A_282 = tpu.vector_load %arg7[%parallel_loop3A_280, %parallel_loop3A_281] {strides = array<i32>} : memref<128x128xf32, #tpu.memory_space<vmem>>, vector<1x16xf32>,
      %parallel_loop3A_283 = vector.shape_cast %parallel_loop3A_282 : vector<1x16xf32> to vector<16xf32>
      %parallel_loop3A_284 = arith.index_cast %parallel_loop3A_225 : i32 to index
      %parallel_loop3A_285 = arith.constant 96 : index
      %parallel_loop3A_286 = tpu.vector_load %arg8[%parallel_loop3A_284, %parallel_loop3A_285] {strides = array<i32>} : memref<256x128xf32, #tpu.memory_space<vmem>>, vector<1x16xf32>,
      %parallel_loop3A_287 = vector.shape_cast %parallel_loop3A_286 : vector<1x16xf32> to vector<16xf32>
      %parallel_loop3A_288 = vector.shape_cast %parallel_loop3A_283 : vector<16xf32> to vector<1x16xf32>
      tpu.vector_store %arg8[%parallel_loop3A_284, %parallel_loop3A_285], %parallel_loop3A_288 {add = true, strides = array<i32>} : memref<256x128xf32, #tpu.memory_space<vmem>>, vector<1x16xf32>,
      %parallel_loop3A_289 = arith.index_cast %parallel_loop3A_225 : i32 to index
      %parallel_loop3A_290 = arith.constant 112 : index
      %parallel_loop3A_291 = tpu.vector_load %arg7[%parallel_loop3A_289, %parallel_loop3A_290] {strides = array<i32>} : memref<128x128xf32, #tpu.memory_space<vmem>>, vector<1x16xf32>,
      %parallel_loop3A_292 = vector.shape_cast %parallel_loop3A_291 : vector<1x16xf32> to vector<16xf32>
      %parallel_loop3A_293 = arith.index_cast %parallel_loop3A_225 : i32 to index
      %parallel_loop3A_294 = arith.constant 112 : index
      %parallel_loop3A_295 = tpu.vector_load %arg8[%parallel_loop3A_293, %parallel_loop3A_294] {strides = array<i32>} : memref<256x128xf32, #tpu.memory_space<vmem>>, vector<1x16xf32>,
      %parallel_loop3A_296 = vector.shape_cast %parallel_loop3A_295 : vector<1x16xf32> to vector<16xf32>
      %parallel_loop3A_297 = vector.shape_cast %parallel_loop3A_292 : vector<16xf32> to vector<1x16xf32>
      tpu.vector_store %arg8[%parallel_loop3A_293, %parallel_loop3A_294], %parallel_loop3A_297 {add = true, strides = array<i32>} : memref<256x128xf32, #tpu.memory_space<vmem>>, vector<1x16xf32>,
    } {sc.loop_unroll_factor = 1 : i64, sc.parallel_access}
    %add3A_117 = arith.constant 64 : i32
    %add3A_118 = arith.addi %add3A, %add3A_117 : i32
    %dma_start3A_119 = arith.constant 64 : i32
    %dma_start3A_120 = arith.constant 0 : i32
    %dma_start3A_121 = tpu.memref_slice %arg8[%dma_start3A_119, %dma_start3A_120] : memref<256x128xf32, #tpu.memory_space<vmem>> -> memref<64x128xf32, #tpu.memory_space<vmem>>
    %dma_start3A_122 = arith.constant 0 : i32
    %dma_start3A_123 = tpu.memref_slice %arg5[%select_n3A, %add3A_118, %dma_start3A_122] : memref<4x2048x128xf32, #tpu.memory_space<hbm>> -> memref<1x64x128xf32, #tpu.memory_space<hbm>>
    %dma_start3A_124 = tpu.memref_squeeze %dma_start3A_123 : memref<1x64x128xf32, #tpu.memory_space<hbm>> -> memref<64x128xf32, #tpu.memory_space<hbm>>
    %dma_start3A_125 = arith.constant 0 : i32
    %dma_start3A_126 = tpu.memref_slice %arg5[%select_n3A, %add3A_118, %dma_start3A_125] : memref<4x2048x128xf32, #tpu.memory_space<hbm>> -> memref<1x64x128xf32, #tpu.memory_space<hbm>>
    %dma_start3A_127 = tpu.memref_squeeze %dma_start3A_126 : memref<1x64x128xf32, #tpu.memory_space<hbm>> -> memref<64x128xf32, #tpu.memory_space<hbm>>
    %dma_start3A_128 = arith.constant 64 : i32
    %dma_start3A_129 = arith.constant 0 : i32
    %dma_start3A_130 = tpu.memref_slice %arg8[%dma_start3A_128, %dma_start3A_129] : memref<256x128xf32, #tpu.memory_space<vmem>> -> memref<64x128xf32, #tpu.memory_space<vmem>>
    tpu.enqueue_dma source(%dma_start3A_130 : memref<64x128xf32, #tpu.memory_space<vmem>>) target(%dma_start3A_127 : memref<64x128xf32, #tpu.memory_space<hbm>>) target_semaphore(%arg16 : memref<!tpu.dma_semaphore, #tpu.memory_space<semaphore_mem>>)
    %dma_wait3A_131 = arith.constant 128 : i32
    %dma_wait3A_132 = arith.constant 0 : i32
    %dma_wait3A_133 = tpu.memref_slice %arg8[%dma_wait3A_131, %dma_wait3A_132] : memref<256x128xf32, #tpu.memory_space<vmem>> -> memref<64x128xf32, #tpu.memory_space<vmem>>
    %dma_wait3A_134 = arith.constant 128 : i32
    %dma_wait3A_135 = tpu.memref_slice %arg6[%dma_wait3A_134] : memref<256xi32, #tpu.memory_space<vmem>> -> memref<64xi32, #tpu.memory_space<vmem>>
    %dma_wait3A_136 = arith.constant 0 : i32
    %dma_wait3A_137 = arith.constant 0 : i32
    %dma_wait3A_138 = tpu.memref_slice %arg3[%dma_wait3A_136, %dma_wait3A_137] : memref<100000x128xf32, #tpu.memory_space<hbm>> -> memref<100000x128xf32, #tpu.memory_space<hbm>>
    tpu.wait_indirect_dma semaphore(%arg14 : memref<!tpu.dma_semaphore, #tpu.memory_space<semaphore_mem>>) src(%dma_wait3A_138 : memref<100000x128xf32, #tpu.memory_space<hbm>>) dst(%dma_wait3A_133 : memref<64x128xf32, #tpu.memory_space<vmem>>)
    %add3A_139 = arith.constant 128 : i32
    %add3A_140 = arith.addi %add3A, %add3A_139 : i32
    %dma_start3A_141 = arith.constant 128 : i32
    %dma_start3A_142 = arith.constant 0 : i32
    %dma_start3A_143 = tpu.memref_slice %arg8[%dma_start3A_141, %dma_start3A_142] : memref<256x128xf32, #tpu.memory_space<vmem>> -> memref<64x128xf32, #tpu.memory_space<vmem>>
    %dma_start3A_144 = arith.constant 0 : i32
    %dma_start3A_145 = tpu.memref_slice %arg5[%select_n3A, %add3A_140, %dma_start3A_144] : memref<4x2048x128xf32, #tpu.memory_space<hbm>> -> memref<1x64x128xf32, #tpu.memory_space<hbm>>
    %dma_start3A_146 = tpu.memref_squeeze %dma_start3A_145 : memref<1x64x128xf32, #tpu.memory_space<hbm>> -> memref<64x128xf32, #tpu.memory_space<hbm>>
    %dma_start3A_147 = arith.constant 0 : i32
    %dma_start3A_148 = tpu.memref_slice %arg5[%select_n3A, %add3A_140, %dma_start3A_147] : memref<4x2048x128xf32, #tpu.memory_space<hbm>> -> memref<1x64x128xf32, #tpu.memory_space<hbm>>
    %dma_start3A_149 = tpu.memref_squeeze %dma_start3A_148 : memref<1x64x128xf32, #tpu.memory_space<hbm>> -> memref<64x128xf32, #tpu.memory_space<hbm>>
    %dma_start3A_150 = arith.constant 128 : i32
    %dma_start3A_151 = arith.constant 0 : i32
    %dma_start3A_152 = tpu.memref_slice %arg8[%dma_start3A_150, %dma_start3A_151] : memref<256x128xf32, #tpu.memory_space<vmem>> -> memref<64x128xf32, #tpu.memory_space<vmem>>
    tpu.enqueue_dma source(%dma_start3A_152 : memref<64x128xf32, #tpu.memory_space<vmem>>) target(%dma_start3A_149 : memref<64x128xf32, #tpu.memory_space<hbm>>) target_semaphore(%arg17 : memref<!tpu.dma_semaphore, #tpu.memory_space<semaphore_mem>>)
    %dma_wait3A_153 = arith.constant 192 : i32
    %dma_wait3A_154 = arith.constant 0 : i32
    %dma_wait3A_155 = tpu.memref_slice %arg8[%dma_wait3A_153, %dma_wait3A_154] : memref<256x128xf32, #tpu.memory_space<vmem>> -> memref<64x128xf32, #tpu.memory_space<vmem>>
    %dma_wait3A_156 = arith.constant 192 : i32
    %dma_wait3A_157 = tpu.memref_slice %arg6[%dma_wait3A_156] : memref<256xi32, #tpu.memory_space<vmem>> -> memref<64xi32, #tpu.memory_space<vmem>>
    %dma_wait3A_158 = arith.constant 0 : i32
    %dma_wait3A_159 = arith.constant 0 : i32
    %dma_wait3A_160 = tpu.memref_slice %arg3[%dma_wait3A_158, %dma_wait3A_159] : memref<100000x128xf32, #tpu.memory_space<hbm>> -> memref<100000x128xf32, #tpu.memory_space<hbm>>
    tpu.wait_indirect_dma semaphore(%arg15 : memref<!tpu.dma_semaphore, #tpu.memory_space<semaphore_mem>>) src(%dma_wait3A_160 : memref<100000x128xf32, #tpu.memory_space<hbm>>) dst(%dma_wait3A_155 : memref<64x128xf32, #tpu.memory_space<vmem>>)
    %add3A_161 = arith.constant 128 : i32
    %add3A_162 = arith.addi %add3A, %add3A_161 : i32
    %add3A_163 = arith.constant 64 : i32
    %add3A_164 = arith.addi %add3A_162, %add3A_163 : i32
    %dma_start3A_165 = arith.constant 192 : i32
    %dma_start3A_166 = arith.constant 0 : i32
    %dma_start3A_167 = tpu.memref_slice %arg8[%dma_start3A_165, %dma_start3A_166] : memref<256x128xf32, #tpu.memory_space<vmem>> -> memref<64x128xf32, #tpu.memory_space<vmem>>
    %dma_start3A_168 = arith.constant 0 : i32
    %dma_start3A_169 = tpu.memref_slice %arg5[%select_n3A, %add3A_164, %dma_start3A_168] : memref<4x2048x128xf32, #tpu.memory_space<hbm>> -> memref<1x64x128xf32, #tpu.memory_space<hbm>>
    %dma_start3A_170 = tpu.memref_squeeze %dma_start3A_169 : memref<1x64x128xf32, #tpu.memory_space<hbm>> -> memref<64x128xf32, #tpu.memory_space<hbm>>
    %dma_start3A_171 = arith.constant 0 : i32
    %dma_start3A_172 = tpu.memref_slice %arg5[%select_n3A, %add3A_164, %dma_start3A_171] : memref<4x2048x128xf32, #tpu.memory_space<hbm>> -> memref<1x64x128xf32, #tpu.memory_space<hbm>>
    %dma_start3A_173 = tpu.memref_squeeze %dma_start3A_172 : memref<1x64x128xf32, #tpu.memory_space<hbm>> -> memref<64x128xf32, #tpu.memory_space<hbm>>
    %dma_start3A_174 = arith.constant 192 : i32
    %dma_start3A_175 = arith.constant 0 : i32
    %dma_start3A_176 = tpu.memref_slice %arg8[%dma_start3A_174, %dma_start3A_175] : memref<256x128xf32, #tpu.memory_space<vmem>> -> memref<64x128xf32, #tpu.memory_space<vmem>>
    tpu.enqueue_dma source(%dma_start3A_176 : memref<64x128xf32, #tpu.memory_space<vmem>>) target(%dma_start3A_173 : memref<64x128xf32, #tpu.memory_space<hbm>>) target_semaphore(%arg17 : memref<!tpu.dma_semaphore, #tpu.memory_space<semaphore_mem>>)
    %dma_wait3A_177 = arith.constant 0 : i32
    %dma_wait3A_178 = arith.constant 0 : i32
    %dma_wait3A_179 = tpu.memref_slice %arg8[%dma_wait3A_177, %dma_wait3A_178] : memref<256x128xf32, #tpu.memory_space<vmem>> -> memref<64x128xf32, #tpu.memory_space<vmem>>
    %dma_wait3A_180 = arith.constant 0 : i32
    %dma_wait3A_181 = tpu.memref_slice %arg5[%select_n3A, %add3A, %dma_wait3A_180] : memref<4x2048x128xf32, #tpu.memory_space<hbm>> -> memref<1x64x128xf32, #tpu.memory_space<hbm>>
    %dma_wait3A_182 = tpu.memref_squeeze %dma_wait3A_181 : memref<1x64x128xf32, #tpu.memory_space<hbm>> -> memref<64x128xf32, #tpu.memory_space<hbm>>
    %dma_wait3A_183 = arith.constant 0 : i32
    %dma_wait3A_184 = tpu.memref_slice %arg5[%select_n3A, %add3A, %dma_wait3A_183] : memref<4x2048x128xf32, #tpu.memory_space<hbm>> -> memref<1x64x128xf32, #tpu.memory_space<hbm>>
    %dma_wait3A_185 = tpu.memref_squeeze %dma_wait3A_184 : memref<1x64x128xf32, #tpu.memory_space<hbm>> -> memref<64x128xf32, #tpu.memory_space<hbm>>
    %dma_wait3A_186 = arith.constant 0 : i32
    %dma_wait3A_187 = arith.constant 0 : i32
    %dma_wait3A_188 = tpu.memref_slice %arg8[%dma_wait3A_186, %dma_wait3A_187] : memref<256x128xf32, #tpu.memory_space<vmem>> -> memref<64x128xf32, #tpu.memory_space<vmem>>
    tpu.wait_dma2 semaphore(%arg16 : memref<!tpu.dma_semaphore, #tpu.memory_space<semaphore_mem>>) src(%dma_wait3A_188 : memref<64x128xf32, #tpu.memory_space<vmem>>) dst(%dma_wait3A_185 : memref<64x128xf32, #tpu.memory_space<hbm>>)
    %dma_wait3A_189 = arith.constant 64 : i32
    %dma_wait3A_190 = arith.constant 0 : i32
    %dma_wait3A_191 = tpu.memref_slice %arg8[%dma_wait3A_189, %dma_wait3A_190] : memref<256x128xf32, #tpu.memory_space<vmem>> -> memref<64x128xf32, #tpu.memory_space<vmem>>
    %dma_wait3A_192 = arith.constant 0 : i32
    %dma_wait3A_193 = tpu.memref_slice %arg5[%select_n3A, %add3A_118, %dma_wait3A_192] : memref<4x2048x128xf32, #tpu.memory_space<hbm>> -> memref<1x64x128xf32, #tpu.memory_space<hbm>>
    %dma_wait3A_194 = tpu.memref_squeeze %dma_wait3A_193 : memref<1x64x128xf32, #tpu.memory_space<hbm>> -> memref<64x128xf32, #tpu.memory_space<hbm>>
    %dma_wait3A_195 = arith.constant 0 : i32
    %dma_wait3A_196 = tpu.memref_slice %arg5[%select_n3A, %add3A_118, %dma_wait3A_195] : memref<4x2048x128xf32, #tpu.memory_space<hbm>> -> memref<1x64x128xf32, #tpu.memory_space<hbm>>
    %dma_wait3A_197 = tpu.memref_squeeze %dma_wait3A_196 : memref<1x64x128xf32, #tpu.memory_space<hbm>> -> memref<64x128xf32, #tpu.memory_space<hbm>>
    %dma_wait3A_198 = arith.constant 64 : i32
    %dma_wait3A_199 = arith.constant 0 : i32
    %dma_wait3A_200 = tpu.memref_slice %arg8[%dma_wait3A_198, %dma_wait3A_199] : memref<256x128xf32, #tpu.memory_space<vmem>> -> memref<64x128xf32, #tpu.memory_space<vmem>>
    tpu.wait_dma2 semaphore(%arg16 : memref<!tpu.dma_semaphore, #tpu.memory_space<semaphore_mem>>) src(%dma_wait3A_200 : memref<64x128xf32, #tpu.memory_space<vmem>>) dst(%dma_wait3A_197 : memref<64x128xf32, #tpu.memory_space<hbm>>)
    %dma_wait3A_201 = arith.constant 128 : i32
    %dma_wait3A_202 = arith.constant 0 : i32
    %dma_wait3A_203 = tpu.memref_slice %arg8[%dma_wait3A_201, %dma_wait3A_202] : memref<256x128xf32, #tpu.memory_space<vmem>> -> memref<64x128xf32, #tpu.memory_space<vmem>>
    %dma_wait3A_204 = arith.constant 0 : i32
    %dma_wait3A_205 = tpu.memref_slice %arg5[%select_n3A, %add3A_140, %dma_wait3A_204] : memref<4x2048x128xf32, #tpu.memory_space<hbm>> -> memref<1x64x128xf32, #tpu.memory_space<hbm>>
    %dma_wait3A_206 = tpu.memref_squeeze %dma_wait3A_205 : memref<1x64x128xf32, #tpu.memory_space<hbm>> -> memref<64x128xf32, #tpu.memory_space<hbm>>
    %dma_wait3A_207 = arith.constant 0 : i32
    %dma_wait3A_208 = tpu.memref_slice %arg5[%select_n3A, %add3A_140, %dma_wait3A_207] : memref<4x2048x128xf32, #tpu.memory_space<hbm>> -> memref<1x64x128xf32, #tpu.memory_space<hbm>>
    %dma_wait3A_209 = tpu.memref_squeeze %dma_wait3A_208 : memref<1x64x128xf32, #tpu.memory_space<hbm>> -> memref<64x128xf32, #tpu.memory_space<hbm>>
    %dma_wait3A_210 = arith.constant 128 : i32
    %dma_wait3A_211 = arith.constant 0 : i32
    %dma_wait3A_212 = tpu.memref_slice %arg8[%dma_wait3A_210, %dma_wait3A_211] : memref<256x128xf32, #tpu.memory_space<vmem>> -> memref<64x128xf32, #tpu.memory_space<vmem>>
    tpu.wait_dma2 semaphore(%arg17 : memref<!tpu.dma_semaphore, #tpu.memory_space<semaphore_mem>>) src(%dma_wait3A_212 : memref<64x128xf32, #tpu.memory_space<vmem>>) dst(%dma_wait3A_209 : memref<64x128xf32, #tpu.memory_space<hbm>>)
    %dma_wait3A_213 = arith.constant 192 : i32
    %dma_wait3A_214 = arith.constant 0 : i32
    %dma_wait3A_215 = tpu.memref_slice %arg8[%dma_wait3A_213, %dma_wait3A_214] : memref<256x128xf32, #tpu.memory_space<vmem>> -> memref<64x128xf32, #tpu.memory_space<vmem>>
    %dma_wait3A_216 = arith.constant 0 : i32
    %dma_wait3A_217 = tpu.memref_slice %arg5[%select_n3A, %add3A_164, %dma_wait3A_216] : memref<4x2048x128xf32, #tpu.memory_space<hbm>> -> memref<1x64x128xf32, #tpu.memory_space<hbm>>
    %dma_wait3A_218 = tpu.memref_squeeze %dma_wait3A_217 : memref<1x64x128xf32, #tpu.memory_space<hbm>> -> memref<64x128xf32, #tpu.memory_space<hbm>>
    %dma_wait3A_219 = arith.constant 0 : i32
    %dma_wait3A_220 = tpu.memref_slice %arg5[%select_n3A, %add3A_164, %dma_wait3A_219] : memref<4x2048x128xf32, #tpu.memory_space<hbm>> -> memref<1x64x128xf32, #tpu.memory_space<hbm>>
    %dma_wait3A_221 = tpu.memref_squeeze %dma_wait3A_220 : memref<1x64x128xf32, #tpu.memory_space<hbm>> -> memref<64x128xf32, #tpu.memory_space<hbm>>
    %dma_wait3A_222 = arith.constant 192 : i32
    %dma_wait3A_223 = arith.constant 0 : i32
    %dma_wait3A_224 = tpu.memref_slice %arg8[%dma_wait3A_222, %dma_wait3A_223] : memref<256x128xf32, #tpu.memory_space<vmem>> -> memref<64x128xf32, #tpu.memory_space<vmem>>
    tpu.wait_dma2 semaphore(%arg17 : memref<!tpu.dma_semaphore, #tpu.memory_space<semaphore_mem>>) src(%dma_wait3A_224 : memref<64x128xf32, #tpu.memory_space<vmem>>) dst(%dma_wait3A_221 : memref<64x128xf32, #tpu.memory_space<hbm>>)
    return
  }
}

</mosaic_0001>

<sc_bundles>
// kernel: kernel.3.cloned.1.call-start
scs
__scs_entry_jumppad:
0x0: {  	(pc) =	sbr.rel $0x88, $3  }
0x1: {  	(tag) =	ssettag $0x0;
	lr =	simm.s32 $0x1  }
0x2: {  	[smem:$0x3F9E] =	sst lr;
	_ =	strace $0xD0000000  }
0x3: {  	_ = 	snop  }
0x4: {  	_ = 	snop  }
0x5: {  	_ = 	snop  }
0x6: {  	_ = 	snop  }
0x7: {  	_ = 	snop  }
__scs_overlays_trampoline_lowered:
0x8: {  	[smem:$0x3FAD] =	sst s0  }
0x9: {  	[smem:$0x3FAE] =	sst s1  }
0xa: {  	[smem:$0x3FAF] =	sst s2  }
0xb: {  	[smem:$0x3FB0] =	sst s3  }
0xc: {  	[smem:$0x3FB1] =	sst s4  }
0xd: {  	[smem:$0x3FB2] =	sst s5  }
0xe: {  	[smem:$0x3FB3] =	sst s6  }
0xf: {  	[smem:$0x3FB4] =	sst s7  }
0x10: {  	[smem:$0x3FB5] =	sst s8  }
0x11: {  	[smem:$0x3FB6] =	sst s9;
	s0 =	simm.s32 @!p0 $0x0  }
0x12: {  	s1 =	sld [smem:$0x3F9C];
	s0 =	simm.s32 @p0 $0x1  }
0x13: {  	[smem:$0x3FB7] =	sst s0;
	s0 =	simm.s32 @!p1 $0x0  }
0x14: {  	s2 =	sld [smem:$0x3F9B];
	s0 =	simm.s32 @p1 $0x1  }
0x15: {  	[smem:$0x3FB8] =	sst s0;
	s0 =	simm.s32 @!p2 $0x0  }
0x16: {  	s3 =	sld [smem:$0x3FDB];
	s0 =	simm.s32 @p2 $0x1  }
0x17: {  	s4 =	simm.s32 $0x1BF5;
	[smem:$0x3FBA] =	sst s0  }
0x18: {  	s0 =	sld [smem:$0x3F9D];
	_ =	swait.ge [sflag:s4], $0x0  }
0x19: {  	s7 =	sld [smem:$0x3F9E]  }
0x1a: {  	s8 =	sadd.s32 $0xFFFFE003, lr  }
0x1b: {  	s9 =	sadd.s32 $0xFFFFFEF7, lr;
	s5 =	simm.s32 $0xFFFFFFFF;
	p2 =	slt.u32 s8, $0xFFFFF086  }
0x1c: {  	p1 =	slt.u32 s9, $0xF7A;
	s5 =	simm.s32 @!p2 $0x0  }
0x1d: {  	s5 =	simm.s32 @p1 $0x1;
	p0 =	seq.s32 s7, s2  }
0x1e: {  	s7 =	smul.u32 @!p0 $0xF7A, s2;
	p2 =	seq.s32 @!p0 s5, $0x0  }
0x1f: {  	s9 =	smul.u32 $0xF7A, s1;
	s8 =	simm.s32 @!p0 $0x1BF5;
	p2 =	por !p2, p0  }
0x20: {  	[sflag:s8] =	ssyncset.s32 @!p0 $0xFFFFF086;
	s6 =	sadd.s32 @!p0 s3, s7;
	s7 =	simm.s32 @!p0 $0x108  }
0x21: {  	s3 =	sadd.s32 s3, s9;
	s6 =	sadd.s32 @!p0 $0x88, s6;
	s7 =	simm.s32 @p2 $0x1082  }
0x22: {  	[simem:s7], [sflag:s8] =	dma.local @!p0 [hbm:s6], $0xF7A  }
0x23: {  	s9 =	sor.u32 $0xD0000000, s2;
	s6 =	simm.s32 $0x108;
	_ =	swait.ge @!p0 [sflag:s8], $0x0  }
0x24: {  	s3 =	sadd.s32 $0x88, s3;
	s6 =	simm.s32 @!p1 $0x1082;
	[sflag:s4] =	ssyncset.s32 $0xFFFFF086  }
0x25: {  	[simem:s6], [sflag:s4] =	dma.local [hbm:s3], $0xF7A  }
0x26: {  	[smem:$0x3F9E] =	sst s1;
	(tag) =	ssettag s2;
	_ =	strace s9  }
0x27: {  	s1 =	sld [smem:$0x3FAE]  }
0x28: {  	s2 =	sld [smem:$0x3FAF]  }
0x29: {  	s4 =	sld [smem:$0x3FB1]  }
0x2a: {  	p0 =	seq.s32 s5, $0x0;
	s5 =	sld [smem:$0x3FB2]  }
0x2b: {  	s6 =	sld [smem:$0x3FB3]  }
0x2c: {  	s7 =	sld [smem:$0x3FB4]  }
0x2d: {  	s3 =	simm.s32 $0x108;
	s8 =	sld [smem:$0x3FB5]  }
0x2e: {  	s3 =	simm.s32 @!p0 $0x1082;
	s9 =	sld [smem:$0x3FB6]  }
0x2f: {  	lr =	sadd.s32 s0, s3;
	s0 =	sld [smem:$0x3FAD]  }
0x30: {  	s3 =	sld [smem:$0x3FB0]  }
0x31: {  	[smem:$0x3FB9] =	sst s10  }
0x32: {  	s10 =	sld [smem:$0x3FB7];
	_ =	sdelay $0x3  }
0x33: {  	p0 =	seq.s32 s10, $0x1;
	s10 =	sld [smem:$0x3FB9];
	_ =	sdelay $0x3  }
0x34: {  	[smem:$0x3FB9] =	sst s10  }
0x35: {  	s10 =	sld [smem:$0x3FB8];
	_ =	sdelay $0x3  }
0x36: {  	p1 =	seq.s32 s10, $0x1;
	s10 =	sld [smem:$0x3FB9];
	_ =	sdelay $0x3  }
0x37: {  	[smem:$0x3FB9] =	sst s10  }
0x38: {  	s10 =	sld [smem:$0x3FBA]  }
0x39: {  	_ = 	snop;
	(pc) =	sbr.ind lr, $3  }
0x3a: {  	_ = 	snop  }
0x3b: {  	_ = 	snop  }
0x3c: {  	p2 =	seq.s32 s10, $0x1;
	s10 =	sld [smem:$0x3FB9]  }
0x3d: {  	_ =	shalt  }
0x3e: {  	_ =	shalt  }
0x3f: {  	_ =	shalt  }
0x40: {  	_ =	shalt  }
0x41: {  	_ =	shalt  }
0x42: {  	_ =	shalt  }
0x43: {  	_ =	shalt  }
0x44: {  	_ =	shalt  }
0x45: {  	_ =	shalt  }
0x46: {  	_ =	shalt  }
0x47: {  	_ =	shalt  }
0x48: {  	_ =	shalt  }
0x49: {  	_ =	shalt  }
0x4a: {  	_ =	shalt  }
0x4b: {  	_ =	shalt  }
0x4c: {  	_ =	shalt  }
0x4d: {  	_ =	shalt  }
0x4e: {  	_ =	shalt  }
0x4f: {  	_ =	shalt  }
0x50: {  	_ =	shalt  }
0x51: {  	_ =	shalt  }
0x52: {  	_ =	shalt  }
0x53: {  	_ =	shalt  }
0x54: {  	_ =	shalt  }
0x55: {  	_ =	shalt  }
0x56: {  	_ =	shalt  }
0x57: {  	_ =	shalt  }
0x58: {  	_ =	shalt  }
0x59: {  	_ =	shalt  }
0x5a: {  	_ =	shalt  }
0x5b: {  	_ =	shalt  }
0x5c: {  	_ =	shalt  }
0x5d: {  	_ =	shalt  }
0x5e: {  	_ =	shalt  }
0x5f: {  	_ =	shalt  }
0x60: {  	_ =	shalt  }
0x61: {  	_ =	shalt  }
0x62: {  	_ =	shalt  }
0x63: {  	_ =	shalt  }
0x64: {  	_ =	shalt  }
0x65: {  	_ =	shalt  }
0x66: {  	_ =	shalt  }
0x67: {  	_ =	shalt  }
0x68: {  	_ =	shalt  }
0x69: {  	_ =	shalt  }
0x6a: {  	_ =	shalt  }
0x6b: {  	_ =	shalt  }
0x6c: {  	_ =	shalt  }
0x6d: {  	_ =	shalt  }
0x6e: {  	_ =	shalt  }
0x6f: {  	_ =	shalt  }
0x70: {  	_ =	shalt  }
0x71: {  	_ =	shalt  }
0x72: {  	_ =	shalt  }
0x73: {  	_ =	shalt  }
0x74: {  	_ =	shalt  }
0x75: {  	_ =	shalt  }
0x76: {  	_ =	shalt  }
0x77: {  	_ =	shalt  }
0x78: {  	_ =	shalt  }
0x79: {  	_ =	shalt  }
0x7a: {  	_ =	shalt  }
0x7b: {  	_ =	shalt  }
0x7c: {  	_ =	shalt  }
0x7d: {  	_ =	shalt  }
0x7e: {  	_ =	shalt  }
0x7f: {  	_ =	shalt  }
0x80: {  	_ =	shalt  }
0x81: {  	_ =	shalt  }
0x82: {  	_ =	shalt  }
0x83: {  	_ =	shalt  }
0x84: {  	_ =	shalt  }
0x85: {  	_ =	shalt  }
0x86: {  	_ =	shalt  }
0x87: {  	_ =	shalt  }
.Lfunc_end0:
.L_simem_size_0:
called_computation_lowered:
.L_overlay_start_0:
0x88: {  	s2 =	sld [smem:$0x3FD9]  }
0x89: {  	s3 =	sld [smem:$0x3FFE];
	_ =	sdelay $0x1  }
0x8a: {  	s1 =	srdreg.scid  }
0x8b: {  	s0 =	sand.u32 $0x1, s1  }
0x8c: {  	s18 =	sshll.u32 s0, $0xA;
	s2 =	sadd.s32 s3, s2  }
0x8d: {  	s2 =	sadd.s32 s2, s18  }
0x8e: {  	[smem:$0x3FC5] =	sst s2  }
0x8f: {  	_ = 	snop  }
0x90: {  	s2 =	sld [smem:$0x3FC9]  }
0x91: {  	s19 =	sld [smem:$0x3FC8]  }
0x92: {  	s4 =	sld [smem:$0x3FC7]  }
0x93: {  	s5 =	sld [smem:$0x3FD0];
	(tm) =	ssettm $0x1  }
0x94: {  	s6 =	sld [smem:$0x3FFB];
	_ =	sdelay $0x3  }
0x95: {  	_ =	strace s6  }
0x96: {  	s6 =	sld [smem:$0x3FFC];
	_ =	sdelay $0x3  }
0x97: {  	_ =	strace s6  }
0x98: {  	s6 =	sld [smem:$0x3FFD];
	_ =	sdelay $0x3  }
0x99: {  	_ =	strace s6  }
0x9a: {  	_ =	strace $0x8FFFFFFF  }
0x9b: {  	s20 =	sld [smem:$0x3FDB];
	_ =	sdelay $0x1  }
0x9c: {  	s7 =	simm.s32 $_scs_section_size  }
0x9d: {  	s8 =	simm.s32 $_size__tile_overlayer_lowered;
	s9 =	simm.s32 $_tile_overlayer_lowered  }
0x9e: {  	s23 =	simm.s32 $0x1BFF;
	s22 =	sshll.u32 s9, $0x1;
	s6 =	sadd.s32 s7, s20  }
0x9f: {  	s10 =	simm.s32 $0x0;
	s21 =	sshll.u32 s8, $0x1;
	s8 =	sadd.s32 s22, s6  }
0xa0: {  	[timem:s10], [sflag:s23] =	dma.local [hbm:s8], s21  }
0xa1: {  	_ =	swait.ge [sflag:s23], s21  }
0xa2: {  	s7 =	ssub.s32 $0x0, s21;
	[sflag:s23] =	ssyncset.done $0x0  }
0xa3: {  	[sflag:s23] =	ssyncadd.s32 s7;
	_ =	sdelay $0x1  }
0xa4: {  	s24 =	simm.s32 $0x1B8B  }
0xa5: {  	_ =	swait.ge [sflag:s24], $0x1  }
0xa6: {  	[sflag:s24] =	ssyncset.done $0x0  }
0xa7: {  	s25 =	simm.s32 $0x1B8E;
	[sflag:s24] =	ssyncadd.s32 $0xFFFFFFFF  }
0xa8: {  	s26 =	simm.s32 $execute0_lowered;
	[smem:$0x3FD2] =	sst s25  }
0xa9: {  	s7 =	sshll.u32 s26, $0x1;
	_ =	strace $0x80000046;
	[dreg:$0x1] =	wrdreg $0xFFFFFFFF  }
0xaa: {  	s28 =	simm.s32 $_size_execute0_lowered;
	s6 =	sadd.s32 s6, s7;
	[dreg:$0x0] =	wrdreg $0x0  }
0xab: {  	s7 =	sshll.u32 s28, $0x1;
	[dreg:$0x2] =	wrdreg s6  }
0xac: {  	[dreg:$0x3] =	wrdreg s7  }
0xad: {  	[dreg:$0x4] =	wrdreg $0xC0  }
0xae: {  	_ =	task [dreg:s10], $0x5FFFF  }
0xaf: {  	[dreg:$0x1] =	wrdreg $0xFFFFFFFF  }
0xb0: {  	[dreg:$0x0] =	wrdreg $0x60  }
0xb1: {  	[dreg:$0x2] =	wrdreg s2  }
0xb2: {  	[dreg:$0x3] =	wrdreg s19  }
0xb3: {  	[dreg:$0x4] =	wrdreg s4  }
0xb4: {  	[dreg:$0x5] =	wrdreg s5  }
0xb5: {  	[dreg:$0x6] =	wrdreg $0xC1000  }
0xb6: {  	[dreg:$0x7] =	wrdreg $0x9  }
0xb7: {  	_ =	task.clear_ibuf [dreg:s10], $0x8FFFF;
	_ =	strace $0x90000046  }
0xb8: {  	s29 =	simm.s32 $0x9;
	_ =	strace $0x80000048  }
0xb9: {  	_ =	swait.ge [sflag:s29], $0x1  }
0xba: {  	[sflag:s29] =	ssyncadd.s32 $0xFFFFFFFF  }
0xbb: {  	_ =	strace $0x90000048  }
0xbc: {  	_ =	sfence  }
0xbd: {  	s30 =	sld [smem:$0x0];
	_ =	sdelay $0x2  }
0xbe: {  	s31 =	sshll.u32 s1, $0xD;
	s1 =	sshrl.u32 s1, $0x2  }
0xbf: {  	s3 =	sand.u32 $0x4000, s31;
	s1 =	sadd.s32 s1, s30  }
0xc0: {  	s0 =	sor.u32 s3, s0;
	s1 =	sshll.u32 s1, $0x11  }
0xc1: {  	s0 =	sor.u32 s1, s0  }
0xc2: {  	s0 =	sadd.s32 $0x8F2B, s0  }
0xc3: {  	[sflag:s0] =	ssyncadd.remote.s32 $0x1  }
0xc4: {  	_ =	sfence.sel $0xFFFF  }
0xc5: {  	[dreg:$0x0] =	wrdreg $0xFFFFFFFF;
	(pc) =	sbr.abs _section_cstart, $3  }
0xc6: {  	[dreg:$0x1] =	wrdreg $0xFFFFFFFF  }
0xc7: {  	_ =	task.clear_ibuf [dreg:s10], $0x2FFFF;
	_ =	strace $0x9FFFFFFF  }
0xc8: {  	(tm) =	ssettm $0x7FFFFFFF  }
0xc9: {  	_ =	shalt  }
tec
execute0_lowered:
.L_overlay_start_1:
0x0: {  	(tag) =	ssettag $0x1  }
0x1: {  	s0 =	rddreg [dreg:$0x0]  }
0x2: {  	s1 =	rddreg [dreg:$0x1]  }
0x3: {  	s2 =	rddreg [dreg:$0x2]  }
0x4: {  	s9 =	rddreg [dreg:$0x3]  }
0x5: {  	s6 =	rddreg [dreg:$0x4];
	s3 =	srdreg.scid  }
0x6: {  	s14 =	stileid.u32;
	s17 =	simm.s32 $0x9;
	s28 =	simm.s32 $0x4  }
0x7: {  	s29 =	simm.s32 $0x6100;
	s30 =	simm.s32 $0x5;
	s31 =	simm.s32 $0x6  }
0x8: {  	s15 =	simm.s32 $0x0;
	s4 =	sand.u32 $0x1, s3;
	s7 =	sand.u32 $0x3, s14  }
0x9: {  	s3 =	simm.s32 $0x0;
	s10 =	sshrl.u32 s14, $0x2;
	s20 =	sshll.u32 s14, $0xA  }
0xa: {  	s21 =	sshll.u32 s14, $0xD;
	s25 =	sshll.u32 s14, $0x6;
	s14 =	simm.s32 $0x80  }
0xb: {  	s5 =	sshll.u32 s4, $0xA;
	s8 =	sshll.u32 s7, $0x8;
	[smem:$0x7FF] =	sst s3  }
0xc: {  	s18 =	ssub.s32 $0x2, s4;
	s12 =	sshll.u32 s10, $0x7;
	s4 =	sshll.u32 s4, $0xE  }
0xd: {  	s22 =	sadd.s32 s21, s6;
	s23 =	sshll.u32 s7, $0xF;
	s24 =	sshll.u32 s10, $0xF  }
0xe: {  	s7 =	sor.u32 $0x1C09, s25;
	s21 =	simm.s32 $0x8100;
	s25 =	simm.s32 $0xA100  }
0xf: {  	s8 =	sor.u32 s5, s8;
	_ =	strace $0x80000047;
	s13 =	sshrl.u32 s18, $0x1  }
0x10: {  	s2 =	sadd.s32 s2, s4;
	s6 =	sadd.s32 s23, s6;
	s16 =	sshrl.u32 s22, $0x3  }
0x11: {  	s22 =	simm.s32 $0x3;
	s23 =	simm.s32 $0x40;
	s11 =	sshll.u32 s8, $0x2  }
0x12: {  	s13 =	ssub.s32 s18, s13;
	s5 =	sadd.s32 s20, s2;
	s8 =	sshll.u32 s8, $0x4  }
0x13: {  	s18 =	simm.s32 $0x1;
	s2 =	simm.s32 $0x8;
	s11 =	sor.u32 s12, s11  }
0x14: {  	s26 =	sor.u32 s24, s8;
	s8 =	sadd.s32 $0x4000, s6;
	s13 =	smax.u32 s13, $0x1  }
0x15: {  	s19 =	sshrl.u32 s11, $0x3;
	s9 =	sadd.s32 s9, s26;
	s26 =	simm.s32 $0x2  }
0x16: {  	s4 =	sadd.s32 s0, s19;
	s10 =	sadd.s32 $0x400, s9;
	s11 =	sadd.s32 $0x800, s9  }
0x17: {  	s12 =	sadd.s32 $0xC00, s9;
	s19 =	simm.s32 $0x4100;
	s0 =	simm.s32 $0x7  }
.LBB2_1:
0x18: {  	s20 =	simm.s32 $0x200  }
0x19: {  	[tilespmem:s3], [sflag:$0x1] =	stream.strided.gather [hbm4b:s4+s14], $0x100, s20, s14, $0x38;
	[tilespmem:$0xE100] =	vst v63  }
0x1a: {  	[spmem:s16], [sflag:s7] =	dma.local [hbm:s5], $0x400  }
0x1b: {  	_ =	swait.ge [sflag:s17], $0x400  }
0x1c: {  	[sflag:s17] =	ssyncset.done $0x0  }
0x1d: {  	[sflag:s17] =	ssyncadd.s32 $0xFFFFFC00  }
0x1e: {  	_ =	swait.ge [sflag:s18], $0x100  }
0x1f: {  	[sflag:s18] =	ssyncset.done $0x0  }
0x20: {  	[sflag:s18] =	ssyncadd.s32 $0xFFFFFF00  }
0x21: {  	[tilespmem:s19], [sflag:$0x4] =	stream.indirect.gather [hbm4b:s1+s14], $0x80, s3, s14, $0xb8;
	[tilespmem:$0xE100] =	vst v63  }
0x22: {  	s24 =	simm.s32 $0x100;
	[bflag:$0x0] =	sbarrier.arrive $0xFFFF  }
0x23: {  	[tilespmem:s24], [sflag:$0x2] =	stream.linear.gather [spmem:s6], $0x4000, $0x38;
	[tilespmem:$0xE100] =	vst v63  }
0x24: {  	_ = 	snop  }
0x25: {  	[tilespmem:s21], [sflag:$0x3] =	stream.linear.gather [spmem:s8], $0x4000, $0x38;
	[tilespmem:$0xE100] =	vst v63  }
0x26: {  	_ =	swait.ge [sflag:s22], $0x4000  }
0x27: {  	[sflag:s22] =	ssyncset.done $0x0  }
0x28: {  	[sflag:s22] =	ssyncadd.s32 $0xFFFFC000  }
0x29: {  	[tilespmem:s21], [sflag:$0x5] =	stream.indirect.gather.add.f32 [hbm:s1], $0x80, s14, s23, $0xb8;
	[tilespmem:$0xE100] =	vst v63  }
0x2a: {  	s24 =	simm.s32 $0xC0  }
0x2b: {  	[tilespmem:s25], [sflag:$0x6] =	stream.indirect.gather.add.f32 [hbm:s1], $0x80, s24, s23, $0xb8;
	[tilespmem:$0xE100] =	vst v63  }
0x2c: {  	_ =	swait.ge [sflag:s26], $0x4000  }
0x2d: {  	[sflag:s26] =	ssyncset.done $0x0  }
0x2e: {  	[sflag:s26] =	ssyncadd.s32 $0xFFFFC000  }
0x2f: {  	_ =	swait.ge [sflag:s28], $0x4000  }
0x30: {  	[sflag:s28] =	ssyncset.done $0x0  }
0x31: {  	s20 =	simm.s32 $0x0;
	s24 =	simm.s32 $0x200;
	[sflag:s28] =	ssyncadd.s32 $0xFFFFC000  }
.LBB2_2:
0x32: {  	p0 =	sne.s32 s24, $0x7E00;
	v0 =	vld [tilespmem:s20+$0x170]  }
0x33: {  	v1 =	vld [tilespmem:s20+$0x100]  }
0x34: {  	v2 =	vld [tilespmem:s20+$0x110]  }
0x35: {  	v3 =	vld [tilespmem:s20+$0x120]  }
0x36: {  	v4 =	vld [tilespmem:s20+$0x130]  }
0x37: {  	[tilespmem:s20+$0x4170] =	vst.add.f32.msk $0xffff, v0  }
0x38: {  	v0 =	vld [tilespmem:s20+$0x140]  }
0x39: {  	v5 =	vld [tilespmem:s20+$0x150]  }
0x3a: {  	v6 =	vld [tilespmem:s20+$0x160]  }
0x3b: {  	[tilespmem:s20+$0x4100] =	vst.add.f32.msk $0xffff, v1  }
0x3c: {  	[tilespmem:s20+$0x4110] =	vst.add.f32.msk $0xffff, v2  }
.Ltmp0:
0x3d: {  	[tilespmem:s20+$0x4120] =	vst.add.f32.msk $0xffff, v3;
	(pc) =	sbr.rel @p0 .LBB2_2-.Ltmp0, $4  }
0x3e: {  	[tilespmem:s20+$0x4130] =	vst.add.f32.msk $0xffff, v4  }
0x3f: {  	[tilespmem:s20+$0x4140] =	vst.add.f32.msk $0xffff, v0  }
0x40: {  	[tilespmem:s20+$0x4150] =	vst.add.f32.msk $0xffff, v5  }
0x41: {  	[tilespmem:s20+$0x4160] =	vst.add.f32.msk $0xffff, v6;
	s20 =	sshra.s32 s24, $0x2;
	s24 =	sadd.s32 $0x200, s24  }
0x42: {  	v0 =	vld [tilespmem:s20+$0x170]  }
0x43: {  	v1 =	vld [tilespmem:s20+$0x100]  }
0x44: {  	v2 =	vld [tilespmem:s20+$0x110]  }
0x45: {  	v3 =	vld [tilespmem:s20+$0x120]  }
0x46: {  	v4 =	vld [tilespmem:s20+$0x130]  }
0x47: {  	v63 =	vld [tilespmem:s20+$0x140]  }
0x48: {  	v5 =	vld [tilespmem:s20+$0x150]  }
0x49: {  	v6 =	vld [tilespmem:s20+$0x160]  }
0x4a: {  	[tilespmem:s20+$0x4170] =	vst.add.f32.msk $0xffff, v0  }
0x4b: {  	[tilespmem:s20+$0x4100] =	vst.add.f32.msk $0xffff, v1  }
0x4c: {  	[tilespmem:s20+$0x4110] =	vst.add.f32.msk $0xffff, v2  }
0x4d: {  	[tilespmem:s20+$0x4120] =	vst.add.f32.msk $0xffff, v3  }
0x4e: {  	[tilespmem:s20+$0x4130] =	vst.add.f32.msk $0xffff, v4  }
0x4f: {  	[tilespmem:s20+$0x4140] =	vst.add.f32.msk $0xffff, v63  }
0x50: {  	[tilespmem:s20+$0x4150] =	vst.add.f32.msk $0xffff, v5  }
0x51: {  	s24 =	simm.s32 $0x0;
	[tilespmem:s20+$0x4160] =	vst.add.f32.msk $0xffff, v6  }
0x52: {  	[hbm4b:s9+s24] =	stream.linear.scatter [tilespmem:s19], [sflag:$0x7], $0x2000, $0x38;
	[tilespmem:$0xE100] =	vst v63  }
0x53: {  	s20 =	simm.s32 $0x0;
	s24 =	simm.s32 $0x200  }
.LBB2_4:
0x54: {  	p0 =	sne.s32 s24, $0x7E00;
	v0 =	vld [tilespmem:s20+$0x2170]  }
0x55: {  	v1 =	vld [tilespmem:s20+$0x2100]  }
0x56: {  	v2 =	vld [tilespmem:s20+$0x2110]  }
0x57: {  	v3 =	vld [tilespmem:s20+$0x2120]  }
0x58: {  	v4 =	vld [tilespmem:s20+$0x2130]  }
0x59: {  	[tilespmem:s20+$0x6170] =	vst.add.f32.msk $0xffff, v0  }
0x5a: {  	v0 =	vld [tilespmem:s20+$0x2140]  }
0x5b: {  	v5 =	vld [tilespmem:s20+$0x2150]  }
0x5c: {  	v6 =	vld [tilespmem:s20+$0x2160]  }
0x5d: {  	[tilespmem:s20+$0x6100] =	vst.add.f32.msk $0xffff, v1  }
0x5e: {  	[tilespmem:s20+$0x6110] =	vst.add.f32.msk $0xffff, v2  }
.Ltmp1:
0x5f: {  	[tilespmem:s20+$0x6120] =	vst.add.f32.msk $0xffff, v3;
	(pc) =	sbr.rel @p0 .LBB2_4-.Ltmp1, $4  }
0x60: {  	[tilespmem:s20+$0x6130] =	vst.add.f32.msk $0xffff, v4  }
0x61: {  	[tilespmem:s20+$0x6140] =	vst.add.f32.msk $0xffff, v0  }
0x62: {  	[tilespmem:s20+$0x6150] =	vst.add.f32.msk $0xffff, v5  }
0x63: {  	[tilespmem:s20+$0x6160] =	vst.add.f32.msk $0xffff, v6;
	s20 =	sshra.s32 s24, $0x2;
	s24 =	sadd.s32 $0x200, s24  }
0x64: {  	v0 =	vld [tilespmem:s20+$0x2170]  }
0x65: {  	v1 =	vld [tilespmem:s20+$0x2100]  }
0x66: {  	v2 =	vld [tilespmem:s20+$0x2110]  }
0x67: {  	v3 =	vld [tilespmem:s20+$0x2120]  }
0x68: {  	v4 =	vld [tilespmem:s20+$0x2130]  }
0x69: {  	v63 =	vld [tilespmem:s20+$0x2140]  }
0x6a: {  	v5 =	vld [tilespmem:s20+$0x2150]  }
0x6b: {  	v6 =	vld [tilespmem:s20+$0x2160]  }
0x6c: {  	[tilespmem:s20+$0x6170] =	vst.add.f32.msk $0xffff, v0  }
0x6d: {  	[tilespmem:s20+$0x6100] =	vst.add.f32.msk $0xffff, v1  }
0x6e: {  	[tilespmem:s20+$0x6110] =	vst.add.f32.msk $0xffff, v2  }
0x6f: {  	[tilespmem:s20+$0x6120] =	vst.add.f32.msk $0xffff, v3  }
0x70: {  	[tilespmem:s20+$0x6130] =	vst.add.f32.msk $0xffff, v4  }
0x71: {  	[tilespmem:s20+$0x6140] =	vst.add.f32.msk $0xffff, v63  }
0x72: {  	[tilespmem:s20+$0x6150] =	vst.add.f32.msk $0xffff, v5  }
0x73: {  	[tilespmem:s20+$0x6160] =	vst.add.f32.msk $0xffff, v6  }
0x74: {  	[hbm4b:s10+s3] =	stream.linear.scatter [tilespmem:s29], [sflag:$0x7], $0x2000, $0x38;
	[tilespmem:$0xE100] =	vst v63  }
0x75: {  	_ =	swait.ge [sflag:s30], $0x2000  }
0x76: {  	[sflag:s30] =	ssyncset.done $0x0  }
0x77: {  	[sflag:s30] =	ssyncadd.s32 $0xFFFFE000  }
0x78: {  	[hbm4b:s11+s3] =	stream.linear.scatter [tilespmem:s21], [sflag:$0x8], $0x2000, $0x38;
	[tilespmem:$0xE100] =	vst v63  }
0x79: {  	_ =	swait.ge [sflag:s31], $0x2000  }
0x7a: {  	[sflag:s31] =	ssyncset.done $0x0  }
0x7b: {  	[sflag:s31] =	ssyncadd.s32 $0xFFFFE000  }
0x7c: {  	[hbm4b:s12+s3] =	stream.linear.scatter [tilespmem:s25], [sflag:$0x8], $0x2000, $0x38;
	[tilespmem:$0xE100] =	vst v63  }
0x7d: {  	_ =	swait.ge [sflag:s0], $0x2000  }
0x7e: {  	[sflag:s0] =	ssyncset.done $0x0  }
0x7f: {  	[sflag:s0] =	ssyncadd.s32 $0xFFFFE000  }
0x80: {  	_ =	swait.ge [sflag:s0], $0x2000  }
0x81: {  	[sflag:s0] =	ssyncset.done $0x0  }
0x82: {  	s15 =	sadd.s32 $0x1, s15;
	[sflag:s0] =	ssyncadd.s32 $0xFFFFE000  }
0x83: {  	p0 =	sne.s32 s15, s13;
	_ =	swait.ge [sflag:s2], $0x2000  }
.Ltmp2:
0x84: {  	[sflag:s2] =	ssyncset.done $0x0;
	(pc) =	sbr.rel @p0 .LBB2_1-.Ltmp2, $4  }
0x85: {  	[sflag:s2] =	ssyncadd.s32 $0xFFFFE000  }
0x86: {  	_ =	swait.ge [sflag:s2], $0x2000  }
0x87: {  	[sflag:s2] =	ssyncset.done $0x0  }
0x88: {  	[sflag:s2] =	ssyncadd.s32 $0xFFFFE000  }
0x89: {  	_ =	sfence.sel $0x180000  }
0x8a: {  	[bflag:$0x0] =	sbarrier.arrive $0xFFFF  }
0x8b: {  	_ =	strace $0x90000047  }
0x8c: {  	s0 =	stileid.u32;
	[bflag:$0x2] =	sbarrier.arrive $0xFFFF  }
0x8d: {  	p0 =	sne.s32 s0, $0x0;
	s0 =	rddreg [dreg:$0x5]  }
0x8e: {  	s0 =	sadd.s32 @!p0 $0x100000, s0  }
0x8f: {  	[sflag:s0] =	ssyncadd.tile.s32 @!p0 $0x1;
	_ =	shalt  }
.Lfunc_end2:
_tile_overlayer_lowered:
.L_overlay_start_2:
0x90: {  	(tag) =	ssettag $0x2  }
0x91: {  	s0 =	rddreg [dreg:$0x0];
	s2 =	stileid.u32  }
0x92: {  	s1 =	rddreg [dreg:$0x1];
	p0 =	sne.s32 s2, $0x0  }
0x93: {  	s3 =	rddreg [dreg:$0x2];
	[bflag:$0x3] =	sbarrier.arrive $0xFFFF;
	s2 =	simm.s32 @!p0 $0x1C09  }
0x94: {  	[timem:s3], [sflag:s2] =	dma.local @!p0 [hbm:s0], s1  }
0x95: {  	s0 =	simm.s32 @!p0 $0x9  }
0x96: {  	_ =	swait.ge @!p0 [sflag:s0], s1  }
0x97: {  	s1 =	ssub.s32 @!p0 $0x0, s1;
	[sflag:s0] =	ssyncset.done @!p0 $0x0  }
0x98: {  	[sflag:s0] =	ssyncadd.s32 @!p0 s1  }
0x99: {  	[bflag:$0x3] =	sbarrier.arrive $0xFFFF  }
0x9a: {  	_ =	shalt  }

</sc_bundles>
